<compile_context>
chip_gen: v7x
topology: tpu7x:2x2x1
jax: 0.10.2.dev20260603
libtpu: 0.0.44.dev20260713+nightly
codegen_flags: <defaults>
</compile_context>

<pallas_src>
import functools

import jax
import jax.numpy as jnp
from jax import lax
from jax.experimental import pallas as pl
from jax.experimental.pallas import tpu as pltpu
from jax.experimental.pallas import tpu_sc as plsc

B, N, M = 8, 4096, 1024
C1, C2 = 128, 256
CMID, COUT = 256, 256
TN = 1024
NT = N // TN
BN_COUNT = float(B * N)
H = B // 2

NW = 32
CH = (H * N) // NW
G = 128
NSUB = CH // G


def _stage1_body(u_ref, kn_ref, gi_ref, gw_ref, *, half):
    u = u_ref[0]
    kn = kn_ref[0]
    k2 = jnp.sum(kn * kn, axis=1, keepdims=True)
    ub = u.astype(jnp.bfloat16)
    knb = kn.astype(jnp.bfloat16)
    ku = jax.lax.dot_general(knb, ub, (((1,), (1,)), ((), ())),
                             preferred_element_type=jnp.float32)
    usq = u * u
    u2 = jax.lax.dot_general(jnp.ones((1, 3), jnp.float32), usq,
                             (((1,), (1,)), ((), ())),
                             precision=jax.lax.Precision.HIGHEST,
                             preferred_element_type=jnp.float32)
    d = (u2 + k2) - 2.0 * ku

    iota = jax.lax.broadcasted_iota(jnp.int32, (M, TN), 0)
    vs, ids = [], []
    for k in range(3):
        v = jnp.min(d, axis=0, keepdims=True)
        hit = d == v
        idx = jnp.min(jnp.where(hit, iota, M), axis=0, keepdims=True)
        vs.append(v)
        ids.append(idx)
        if k < 2:
            d = jnp.where(iota == idx, jnp.float32(jnp.inf), d)

    recips = [1.0 / (v + 1e-8) for v in vs]
    norm = recips[0] + recips[1] + recips[2]
    w = [r / norm for r in recips]

    boff = (pl.program_id(0) + half * H) * M
    zi = jnp.zeros((5, TN), jnp.int32)
    gi_ref[0] = jnp.concatenate([ids[0] + boff, ids[1] + boff,
                                 ids[2] + boff, zi], axis=0)
    zf = jnp.zeros((5, TN), jnp.float32)
    w8 = jnp.concatenate(w + [zf], axis=0)
    rows = jax.lax.broadcasted_iota(jnp.int32, (TN, TN), 0)
    cols = jax.lax.broadcasted_iota(jnp.int32, (TN, TN), 1)
    eye = (rows == cols).astype(jnp.float32)
    gw_ref[...] = jax.lax.dot_general(eye, w8, (((1,), (1,)), ((), ())),
                                      precision=jax.lax.Precision.HIGHEST,
                                      preferred_element_type=jnp.float32)


def _sc_gather(gi_hbm, tab_hbm, out_hbm, i0, i1, i2, b0, b1, b2, sem):
    cid = lax.axis_index("c")
    sid = lax.axis_index("s")
    wid = sid * 2 + cid
    base = wid * CH
    b = base // N
    nb = base - b * N

    def sub(s, carry):
        n0 = nb + s * G
        pltpu.sync_copy(gi_hbm.at[b, 0, pl.ds(n0, G)], i0)
        pltpu.sync_copy(gi_hbm.at[b, 1, pl.ds(n0, G)], i1)
        pltpu.sync_copy(gi_hbm.at[b, 2, pl.ds(n0, G)], i2)
        c0 = pltpu.async_copy(tab_hbm.at[i0], b0, sem)
        c1 = pltpu.async_copy(tab_hbm.at[i1], b1, sem)
        c2 = pltpu.async_copy(tab_hbm.at[i2], b2, sem)
        c0.wait()
        c1.wait()
        c2.wait()
        row = base + s * G
        pltpu.sync_copy(b0, out_hbm.at[0, pl.ds(row, G)])
        pltpu.sync_copy(b1, out_hbm.at[1, pl.ds(row, G)])
        pltpu.sync_copy(b2, out_hbm.at[2, pl.ds(row, G)])
        return carry

    lax.fori_loop(0, NSUB, sub, 0)


_sc_gather_call = functools.partial(
    pl.kernel,
    mesh=plsc.VectorSubcoreMesh(core_axis_name="c", subcore_axis_name="s"),
    out_type=jax.ShapeDtypeStruct((3, H * N, C2), jnp.float32),
    scratch_types=[
        pltpu.VMEM((G,), jnp.int32),
        pltpu.VMEM((G,), jnp.int32),
        pltpu.VMEM((G,), jnp.int32),
        pltpu.VMEM((G, C2), jnp.float32),
        pltpu.VMEM((G, C2), jnp.float32),
        pltpu.VMEM((G, C2), jnp.float32),
        pltpu.SemaphoreType.DMA,
    ],
)(_sc_gather)


def _stage1b_body(r_ref, wt_ref, uf_ref, w1_ref, y1_ref, s_ref, q_ref):
    w1a = w1_ref[:, :C2].astype(jnp.bfloat16)
    w1b = w1_ref[:, C2:].astype(jnp.bfloat16)
    ufb = uf_ref[0].astype(jnp.bfloat16)
    interp = ((wt_ref[:, 0:1] * r_ref[0] + wt_ref[:, 1:2] * r_ref[1])
              + wt_ref[:, 2:3] * r_ref[2])
    y1 = (jax.lax.dot_general(w1a, interp.astype(jnp.bfloat16),
                              (((1,), (1,)), ((), ())),
                              preferred_element_type=jnp.float32)
          + jax.lax.dot_general(w1b, ufb, (((1,), (0,)), ((), ())),
                                preferred_element_type=jnp.float32))
    y1_ref[0] = y1

    ps = jnp.sum(y1, axis=1, keepdims=True)
    pq = jnp.sum(y1 * y1, axis=1, keepdims=True)

    @pl.when(jnp.logical_and(pl.program_id(0) == 0, pl.program_id(1) == 0))
    def _init():
        s_ref[...] = ps
        q_ref[...] = pq

    @pl.when(jnp.logical_or(pl.program_id(0) != 0, pl.program_id(1) != 0))
    def _acc():
        s_ref[...] += ps
        q_ref[...] += pq


def _stage2_body(y1_ref, sa_ref, sb_ref, qa_ref, qb_ref, g_ref, b_ref,
                 w2_ref, y2_ref, s2_ref, q2_ref):
    mean = (sa_ref[...] + sb_ref[...]) * (1.0 / BN_COUNT)
    var = (qa_ref[...] + qb_ref[...]) * (1.0 / BN_COUNT) - mean * mean
    scale = g_ref[...] * jax.lax.rsqrt(var + 1e-5)
    shift = b_ref[...] - mean * scale
    h = jnp.maximum(y1_ref[0] * scale + shift, 0.0)
    y2 = jax.lax.dot_general(w2_ref[...].astype(jnp.bfloat16),
                             h.astype(jnp.bfloat16),
                             (((1,), (0,)), ((), ())),
                             preferred_element_type=jnp.float32)
    y2_ref[0] = y2

    ps = jnp.sum(y2, axis=1, keepdims=True)
    pq = jnp.sum(y2 * y2, axis=1, keepdims=True)

    @pl.when(jnp.logical_and(pl.program_id(0) == 0, pl.program_id(1) == 0))
    def _init():
        s2_ref[...] = ps
        q2_ref[...] = pq

    @pl.when(jnp.logical_or(pl.program_id(0) != 0, pl.program_id(1) != 0))
    def _acc():
        s2_ref[...] += ps
        q2_ref[...] += pq


def _stage3_body(y2_ref, sa_ref, sb_ref, qa_ref, qb_ref, g_ref, b_ref,
                 out_ref):
    mean = (sa_ref[...] + sb_ref[...]) * (1.0 / BN_COUNT)
    var = (qa_ref[...] + qb_ref[...]) * (1.0 / BN_COUNT) - mean * mean
    scale = g_ref[...] * jax.lax.rsqrt(var + 1e-5)
    shift = b_ref[...] - mean * scale
    out_ref[0] = jnp.maximum(y2_ref[0] * scale + shift, 0.0)


_STAT_SPEC = pl.BlockSpec((CMID, 1), lambda b, t: (0, 0))


@jax.jit
def kernel(unknown, known, unknow_feats, known_feats, W1, g1, b1, W2, g2, b2):
    f32 = jnp.float32
    table = known_feats.transpose(0, 2, 1).reshape(B * M, C2)

    gi, gw, rows3, uf_h = [], [], [], []
    for h in range(2):
        sl = slice(h * H, (h + 1) * H)
        gih, gwh = pl.pallas_call(
            functools.partial(_stage1_body, half=h),
            grid=(H, NT),
            in_specs=[
                pl.BlockSpec((1, TN, 3), lambda b, t: (b, t, 0)),
                pl.BlockSpec((1, M, 3), lambda b, t: (b, 0, 0)),
            ],
            out_specs=[
                pl.BlockSpec((1, 8, TN), lambda b, t: (b, 0, t)),
                pl.BlockSpec((TN, 8), lambda b, t: (b * NT + t, 0)),
            ],
            out_shape=[
                jax.ShapeDtypeStruct((H, 8, N), jnp.int32),
                jax.ShapeDtypeStruct((H * N, 8), f32),
            ],
        )(unknown[sl], known[sl])
        gi.append(gih)
        gw.append(gwh)
        uf_h.append(unknow_feats[sl])

    for h in range(2):
        rows3.append(_sc_gather_call(gi[h], table))

    y1_h, s1_h, q1_h = [], [], []
    for h in range(2):
        y1h, s1h, q1h = pl.pallas_call(
            _stage1b_body,
            grid=(H, NT),
            in_specs=[
                pl.BlockSpec((3, TN, C2), lambda b, t: (0, b * NT + t, 0)),
                pl.BlockSpec((TN, 8), lambda b, t: (b * NT + t, 0)),
                pl.BlockSpec((1, C1, TN), lambda b, t: (b, 0, t)),
                pl.BlockSpec((CMID, C1 + C2), lambda b, t: (0, 0)),
            ],
            out_specs=[
                pl.BlockSpec((1, CMID, TN), lambda b, t: (b, 0, t)),
                _STAT_SPEC,
                _STAT_SPEC,
            ],
            out_shape=[
                jax.ShapeDtypeStruct((H, CMID, N), f32),
                jax.ShapeDtypeStruct((CMID, 1), f32),
                jax.ShapeDtypeStruct((CMID, 1), f32),
            ],
        )(rows3[h], gw[h], uf_h[h], W1)
        y1_h.append(y1h)
        s1_h.append(s1h)
        q1_h.append(q1h)

    y2_h, s2_h, q2_h = [], [], []
    for h in range(2):
        y2h, s2h, q2h = pl.pallas_call(
            _stage2_body,
            grid=(H, NT),
            in_specs=[
                pl.BlockSpec((1, CMID, TN), lambda b, t: (b, 0, t)),
                _STAT_SPEC, _STAT_SPEC, _STAT_SPEC, _STAT_SPEC,
                _STAT_SPEC, _STAT_SPEC,
                pl.BlockSpec((COUT, CMID), lambda b, t: (0, 0)),
            ],
            out_specs=[
                pl.BlockSpec((1, COUT, TN), lambda b, t: (b, 0, t)),
                _STAT_SPEC,
                _STAT_SPEC,
            ],
            out_shape=[
                jax.ShapeDtypeStruct((H, COUT, N), f32),
                jax.ShapeDtypeStruct((COUT, 1), f32),
                jax.ShapeDtypeStruct((COUT, 1), f32),
            ],
        )(y1_h[h], s1_h[0], s1_h[1], q1_h[0], q1_h[1],
          g1.reshape(CMID, 1), b1.reshape(CMID, 1), W2)
        y2_h.append(y2h)
        s2_h.append(s2h)
        q2_h.append(q2h)

    out_h = []
    for h in range(2):
        out_h.append(pl.pallas_call(
            _stage3_body,
            grid=(H, NT),
            in_specs=[
                pl.BlockSpec((1, COUT, TN), lambda b, t: (b, 0, t)),
                _STAT_SPEC, _STAT_SPEC, _STAT_SPEC, _STAT_SPEC,
                _STAT_SPEC, _STAT_SPEC,
            ],
            out_specs=pl.BlockSpec((1, COUT, TN), lambda b, t: (b, 0, t)),
            out_shape=jax.ShapeDtypeStruct((H, COUT, N), f32),
        )(y2_h[h], s2_h[0], s2_h[1], q2_h[0], q2_h[1],
          g2.reshape(COUT, 1), b2.reshape(COUT, 1)))

    return jnp.concatenate(out_h, axis=0)

# --- scband reference (transcript-rebuilt; emitter-appended) ---
"""Pipeline reference for scband-fp-30348238913932 (READ-ONLY COPY).

The authoritative reference and input builder live on the scoring server;
editing this copy changes nothing except your own understanding.
"""

import jax, jax.numpy as jnp
import numpy as np

B, N, M = 8, 4096, 1024
C1, C2 = 128, 256
MLP = [384, 256, 256]


def setup_inputs(seed: int = 0) -> dict:
    key = jax.random.key(seed)
    ks = jax.random.split(key, 8)
    unknown = jax.random.normal(ks[0], (B, N, 3), dtype=jnp.float32)
    known = jax.random.normal(ks[1], (B, M, 3), dtype=jnp.float32)
    unknow_feats = jax.random.normal(ks[2], (B, C1, N), dtype=jnp.float32)
    known_feats = jax.random.normal(ks[3], (B, C2, M), dtype=jnp.float32)
    W1 = jax.random.normal(ks[4], (MLP[1], MLP[0]), dtype=jnp.float32) * (1.0 / np.sqrt(MLP[0]))
    g1 = jnp.ones((MLP[1],), dtype=jnp.float32)
    b1 = jnp.zeros((MLP[1],), dtype=jnp.float32)
    W2 = jax.random.normal(ks[5], (MLP[2], MLP[1]), dtype=jnp.float32) * (1.0 / np.sqrt(MLP[1]))
    g2 = jnp.ones((MLP[2],), dtype=jnp.float32)
    b2 = jnp.zeros((MLP[2],), dtype=jnp.float32)
    return {"unknown": unknown, "known": known, "unknow_feats": unknow_feats,
            "known_feats": known_feats, "W1": W1, "g1": g1, "b1": b1,
            "W2": W2, "g2": g2, "b2": b2}


def _bn_relu(x, g, b):
    # BatchNorm over (batch, spatial) dims in training mode (batch stats), then ReLU
    mean = jnp.mean(x, axis=(0, 2), keepdims=True)
    var = jnp.var(x, axis=(0, 2), keepdims=True)
    xh = (x - mean) * jax.lax.rsqrt(var + 1e-5)
    return jax.nn.relu(xh * g[None, :, None] + b[None, :, None])


def reference(unknown, known, unknow_feats, known_feats, W1, g1, b1, W2, g2, b2):
    # three_nn: squared L2 distances from each unknown point to all known points
    d2 = (jnp.sum(unknown * unknown, axis=-1)[:, :, None]
          + jnp.sum(known * known, axis=-1)[:, None, :]
          - 2.0 * jnp.einsum('bnd,bmd->bnm', unknown, known))  # [B, N, M]
    neg_dist, idx = jax.lax.top_k(-d2, 3)  # 3 nearest neighbors
    dist = -neg_dist  # [B, N, 3]
    dist_recip = 1.0 / (dist + 1e-8)
    norm = jnp.sum(dist_recip, axis=2, keepdims=True)
    weight = dist_recip / norm  # [B, N, 3]
    # three_interpolate: gather known_feats[B, C2, M] at idx[B, N, 3]
    gathered = jax.vmap(lambda f, i: f[:, i])(known_feats, idx)  # [B, C2, N, 3]
    interpolated = jnp.sum(gathered * weight[:, None, :, :], axis=-1)  # [B, C2, N]
    new_features = jnp.concatenate([interpolated, unknow_feats], axis=1)  # [B, C1+C2, N]
    # shared MLP: 1x1 conv (no bias) -> BN -> ReLU, twice
    h = _bn_relu(jnp.einsum('oc,bcn->bon', W1, new_features), g1, b1)
    out = _bn_relu(jnp.einsum('oc,bcn->bon', W2, h), g2, b2)
    return out

if __name__ == "__main__":
    import jax
    _d = setup_inputs()
    print(jax.jit(kernel)(*tuple(_d.values())))

</pallas_src>

<mosaic_0001>
#map = affine_map<(d0, d1) -> (0, 0, 0)>
#map1 = affine_map<(d0, d1) -> (0, 0)>
module attributes {stable_mosaic.version = 14 : i64} {
  func.func @_sc_gather(%arg0: i32, %arg1: i32, %arg2: memref<4x8x4096xi32, #tpu.memory_space<hbm>>, %arg3: memref<8192x256xf32, #tpu.memory_space<hbm>>, %arg4: memref<3x16384x256xf32, #tpu.memory_space<hbm>>, %arg5: memref<128xi32, #tpu.memory_space<vmem>>, %arg6: memref<128xi32, #tpu.memory_space<vmem>>, %arg7: memref<128xi32, #tpu.memory_space<vmem>>, %arg8: memref<128x256xf32, #tpu.memory_space<vmem>>, %arg9: memref<128x256xf32, #tpu.memory_space<vmem>>, %arg10: memref<128x256xf32, #tpu.memory_space<vmem>>, %arg11: memref<!tpu.dma_semaphore, #tpu.memory_space<semaphore_mem>>) attributes {dimension_semantics = [#tpu.dimension_semantics<core_parallel>, #tpu.dimension_semantics<subcore_parallel>], iteration_bounds = array<i64: 2, 16>, scalar_prefetch = 0 : i64, scratch_operands = 7 : i64, tpu.core_type = #tpu.core_type<sc_vector_subcore>, window_params = [{transform_indices = #map}, {transform_indices = #map1}, {transform_indices = #map}]} {
    %mul3A = arith.constant 2 : i32
    %mul3A_0 = arith.muli %arg1, %mul3A : i32
    %add3A = arith.addi %mul3A_0, %arg0 : i32
    %mul3A_1 = arith.constant 512 : i32
    %mul3A_2 = arith.muli %add3A, %mul3A_1 : i32
    %jit3A = arith.constant 4096 : i32
    %div3A = arith.divsi %mul3A_2, %jit3A : i32
    %sign3A = arith.constant 0 : i32
    %sign3A_3 = arith.cmpi sgt, %mul3A_2, %sign3A : i32
    %sign3A_4 = arith.extui %sign3A_3 : i1 to i32
    %sign3A_5 = arith.constant 0 : i32
    %sign3A_6 = arith.cmpi slt, %mul3A_2, %sign3A_5 : i32
    %sign3A_7 = arith.extui %sign3A_6 : i1 to i32
    %sign3A_8 = arith.subi %sign3A_4, %sign3A_7 : i32
    %sign3A_9 = arith.constant 0 : i32
    %sign3A_10 = arith.cmpi sgt, %jit3A, %sign3A_9 : i32
    %sign3A_11 = arith.extui %sign3A_10 : i1 to i32
    %sign3A_12 = arith.constant 0 : i32
    %sign3A_13 = arith.cmpi slt, %jit3A, %sign3A_12 : i32
    %sign3A_14 = arith.extui %sign3A_13 : i1 to i32
    %sign3A_15 = arith.subi %sign3A_11, %sign3A_14 : i32
    %ne3A = arith.cmpi ne, %sign3A_8, %sign3A_15 : i32
    %rem3A = arith.remsi %mul3A_2, %jit3A : i32
    %ne3A_16 = arith.constant 0 : i32
    %ne3A_17 = arith.cmpi ne, %rem3A, %ne3A_16 : i32
    %and3A = arith.andi %ne3A, %ne3A_17 : i1
    %sub3A = arith.constant 1 : i32
    %sub3A_18 = arith.subi %div3A, %sub3A : i32
    %select_n3A = arith.select %and3A, %sub3A_18, %div3A : i32
    %mul3A_19 = arith.constant 4096 : i32
    %mul3A_20 = arith.muli %select_n3A, %mul3A_19 : i32
    %sub3A_21 = arith.subi %mul3A_2, %mul3A_20 : i32
    %scan3A = arith.constant 0 : i32
    %scan3A_22 = arith.constant 0 : i32
    %scan3A_23 = arith.constant 4 : i32
    %scan3A_24 = arith.addi %scan3A_22, %scan3A_23 : i32
    %scan3A_25 = arith.constant 1 : i32
    scf.for %scan3A_27 = %scan3A_22 to %scan3A_24 step %scan3A_25  : i32 {
      %mul3A_28 = arith.constant 128 : i32
      %mul3A_29 = arith.muli %scan3A_27, %mul3A_28 : i32
      %add3A_30 = arith.addi %sub3A_21, %mul3A_29 : i32
      %run_scoped3A = arith.constant 0 : i32
      "tpu.region"() ({
        %run_scoped3A_55 = tpu.sem_alloc : memref<!tpu.dma_semaphore, #tpu.memory_space<semaphore_mem>>
        %dma_start3A_56 = tpu.memref_slice %arg2[%select_n3A, %run_scoped3A, %add3A_30] : memref<4x8x4096xi32, #tpu.memory_space<hbm>> -> memref<1x1x128xi32, #tpu.memory_space<hbm>>
        %dma_start3A_57 = tpu.memref_squeeze %dma_start3A_56 : memref<1x1x128xi32, #tpu.memory_space<hbm>> -> memref<128xi32, #tpu.memory_space<hbm>>
        %dma_start3A_58 = tpu.memref_slice %arg2[%select_n3A, %run_scoped3A, %add3A_30] : memref<4x8x4096xi32, #tpu.memory_space<hbm>> -> memref<1x1x128xi32, #tpu.memory_space<hbm>>
        %dma_start3A_59 = tpu.memref_squeeze %dma_start3A_58 : memref<1x1x128xi32, #tpu.memory_space<hbm>> -> memref<128xi32, #tpu.memory_space<hbm>>
        tpu.enqueue_dma source(%dma_start3A_59 : memref<128xi32, #tpu.memory_space<hbm>>) target(%arg5 : memref<128xi32, #tpu.memory_space<vmem>>) target_semaphore(%run_scoped3A_55 : memref<!tpu.dma_semaphore, #tpu.memory_space<semaphore_mem>>)
        %dma_wait3A_60 = tpu.memref_slice %arg2[%select_n3A, %run_scoped3A, %add3A_30] : memref<4x8x4096xi32, #tpu.memory_space<hbm>> -> memref<1x1x128xi32, #tpu.memory_space<hbm>>
        %dma_wait3A_61 = tpu.memref_squeeze %dma_wait3A_60 : memref<1x1x128xi32, #tpu.memory_space<hbm>> -> memref<128xi32, #tpu.memory_space<hbm>>
        %dma_wait3A_62 = tpu.memref_slice %arg2[%select_n3A, %run_scoped3A, %add3A_30] : memref<4x8x4096xi32, #tpu.memory_space<hbm>> -> memref<1x1x128xi32, #tpu.memory_space<hbm>>
        %dma_wait3A_63 = tpu.memref_squeeze %dma_wait3A_62 : memref<1x1x128xi32, #tpu.memory_space<hbm>> -> memref<128xi32, #tpu.memory_space<hbm>>
        tpu.wait_dma2 semaphore(%run_scoped3A_55 : memref<!tpu.dma_semaphore, #tpu.memory_space<semaphore_mem>>) src(%dma_wait3A_63 : memref<128xi32, #tpu.memory_space<hbm>>) dst(%arg5 : memref<128xi32, #tpu.memory_space<vmem>>)
        tpu.yield
      }) : () -> ()
      %run_scoped3A_31 = arith.constant 1 : i32
      "tpu.region"() ({
        %run_scoped3A_55 = tpu.sem_alloc : memref<!tpu.dma_semaphore, #tpu.memory_space<semaphore_mem>>
        %dma_start3A_56 = tpu.memref_slice %arg2[%select_n3A, %run_scoped3A_31, %add3A_30] : memref<4x8x4096xi32, #tpu.memory_space<hbm>> -> memref<1x1x128xi32, #tpu.memory_space<hbm>>
        %dma_start3A_57 = tpu.memref_squeeze %dma_start3A_56 : memref<1x1x128xi32, #tpu.memory_space<hbm>> -> memref<128xi32, #tpu.memory_space<hbm>>
        %dma_start3A_58 = tpu.memref_slice %arg2[%select_n3A, %run_scoped3A_31, %add3A_30] : memref<4x8x4096xi32, #tpu.memory_space<hbm>> -> memref<1x1x128xi32, #tpu.memory_space<hbm>>
        %dma_start3A_59 = tpu.memref_squeeze %dma_start3A_58 : memref<1x1x128xi32, #tpu.memory_space<hbm>> -> memref<128xi32, #tpu.memory_space<hbm>>
        tpu.enqueue_dma source(%dma_start3A_59 : memref<128xi32, #tpu.memory_space<hbm>>) target(%arg6 : memref<128xi32, #tpu.memory_space<vmem>>) target_semaphore(%run_scoped3A_55 : memref<!tpu.dma_semaphore, #tpu.memory_space<semaphore_mem>>)
        %dma_wait3A_60 = tpu.memref_slice %arg2[%select_n3A, %run_scoped3A_31, %add3A_30] : memref<4x8x4096xi32, #tpu.memory_space<hbm>> -> memref<1x1x128xi32, #tpu.memory_space<hbm>>
        %dma_wait3A_61 = tpu.memref_squeeze %dma_wait3A_60 : memref<1x1x128xi32, #tpu.memory_space<hbm>> -> memref<128xi32, #tpu.memory_space<hbm>>
        %dma_wait3A_62 = tpu.memref_slice %arg2[%select_n3A, %run_scoped3A_31, %add3A_30] : memref<4x8x4096xi32, #tpu.memory_space<hbm>> -> memref<1x1x128xi32, #tpu.memory_space<hbm>>
        %dma_wait3A_63 = tpu.memref_squeeze %dma_wait3A_62 : memref<1x1x128xi32, #tpu.memory_space<hbm>> -> memref<128xi32, #tpu.memory_space<hbm>>
        tpu.wait_dma2 semaphore(%run_scoped3A_55 : memref<!tpu.dma_semaphore, #tpu.memory_space<semaphore_mem>>) src(%dma_wait3A_63 : memref<128xi32, #tpu.memory_space<hbm>>) dst(%arg6 : memref<128xi32, #tpu.memory_space<vmem>>)
        tpu.yield
      }) : () -> ()
      %run_scoped3A_32 = arith.constant 2 : i32
      "tpu.region"() ({
        %run_scoped3A_55 = tpu.sem_alloc : memref<!tpu.dma_semaphore, #tpu.memory_space<semaphore_mem>>
        %dma_start3A_56 = tpu.memref_slice %arg2[%select_n3A, %run_scoped3A_32, %add3A_30] : memref<4x8x4096xi32, #tpu.memory_space<hbm>> -> memref<1x1x128xi32, #tpu.memory_space<hbm>>
        %dma_start3A_57 = tpu.memref_squeeze %dma_start3A_56 : memref<1x1x128xi32, #tpu.memory_space<hbm>> -> memref<128xi32, #tpu.memory_space<hbm>>
        %dma_start3A_58 = tpu.memref_slice %arg2[%select_n3A, %run_scoped3A_32, %add3A_30] : memref<4x8x4096xi32, #tpu.memory_space<hbm>> -> memref<1x1x128xi32, #tpu.memory_space<hbm>>
        %dma_start3A_59 = tpu.memref_squeeze %dma_start3A_58 : memref<1x1x128xi32, #tpu.memory_space<hbm>> -> memref<128xi32, #tpu.memory_space<hbm>>
        tpu.enqueue_dma source(%dma_start3A_59 : memref<128xi32, #tpu.memory_space<hbm>>) target(%arg7 : memref<128xi32, #tpu.memory_space<vmem>>) target_semaphore(%run_scoped3A_55 : memref<!tpu.dma_semaphore, #tpu.memory_space<semaphore_mem>>)
        %dma_wait3A_60 = tpu.memref_slice %arg2[%select_n3A, %run_scoped3A_32, %add3A_30] : memref<4x8x4096xi32, #tpu.memory_space<hbm>> -> memref<1x1x128xi32, #tpu.memory_space<hbm>>
        %dma_wait3A_61 = tpu.memref_squeeze %dma_wait3A_60 : memref<1x1x128xi32, #tpu.memory_space<hbm>> -> memref<128xi32, #tpu.memory_space<hbm>>
        %dma_wait3A_62 = tpu.memref_slice %arg2[%select_n3A, %run_scoped3A_32, %add3A_30] : memref<4x8x4096xi32, #tpu.memory_space<hbm>> -> memref<1x1x128xi32, #tpu.memory_space<hbm>>
        %dma_wait3A_63 = tpu.memref_squeeze %dma_wait3A_62 : memref<1x1x128xi32, #tpu.memory_space<hbm>> -> memref<128xi32, #tpu.memory_space<hbm>>
        tpu.wait_dma2 semaphore(%run_scoped3A_55 : memref<!tpu.dma_semaphore, #tpu.memory_space<semaphore_mem>>) src(%dma_wait3A_63 : memref<128xi32, #tpu.memory_space<hbm>>) dst(%arg7 : memref<128xi32, #tpu.memory_space<vmem>>)
        tpu.yield
      }) : () -> ()
      %dma_start3A = arith.constant 0 : i32
      %dma_start3A_33 = arith.constant 0 : i32
      %dma_start3A_34 = tpu.memref_slice %arg3[%dma_start3A, %dma_start3A_33] : memref<8192x256xf32, #tpu.memory_space<hbm>> -> memref<8192x256xf32, #tpu.memory_space<hbm>>
      tpu.enqueue_indirect_dma source(%dma_start3A_34 : memref<8192x256xf32, #tpu.memory_space<hbm>>) target(%arg8 : memref<128x256xf32, #tpu.memory_space<vmem>>) offsets(%arg5 : memref<128xi32, #tpu.memory_space<vmem>>) semaphore(%arg11 : memref<!tpu.dma_semaphore, #tpu.memory_space<semaphore_mem>>)
      %dma_start3A_35 = arith.constant 0 : i32
      %dma_start3A_36 = arith.constant 0 : i32
      %dma_start3A_37 = tpu.memref_slice %arg3[%dma_start3A_35, %dma_start3A_36] : memref<8192x256xf32, #tpu.memory_space<hbm>> -> memref<8192x256xf32, #tpu.memory_space<hbm>>
      tpu.enqueue_indirect_dma source(%dma_start3A_37 : memref<8192x256xf32, #tpu.memory_space<hbm>>) target(%arg9 : memref<128x256xf32, #tpu.memory_space<vmem>>) offsets(%arg6 : memref<128xi32, #tpu.memory_space<vmem>>) semaphore(%arg11 : memref<!tpu.dma_semaphore, #tpu.memory_space<semaphore_mem>>)
      %dma_start3A_38 = arith.constant 0 : i32
      %dma_start3A_39 = arith.constant 0 : i32
      %dma_start3A_40 = tpu.memref_slice %arg3[%dma_start3A_38, %dma_start3A_39] : memref<8192x256xf32, #tpu.memory_space<hbm>> -> memref<8192x256xf32, #tpu.memory_space<hbm>>
      tpu.enqueue_indirect_dma source(%dma_start3A_40 : memref<8192x256xf32, #tpu.memory_space<hbm>>) target(%arg10 : memref<128x256xf32, #tpu.memory_space<vmem>>) offsets(%arg7 : memref<128xi32, #tpu.memory_space<vmem>>) semaphore(%arg11 : memref<!tpu.dma_semaphore, #tpu.memory_space<semaphore_mem>>)
      %dma_wait3A = arith.constant 0 : i32
      %dma_wait3A_41 = arith.constant 0 : i32
      %dma_wait3A_42 = tpu.memref_slice %arg3[%dma_wait3A, %dma_wait3A_41] : memref<8192x256xf32, #tpu.memory_space<hbm>> -> memref<8192x256xf32, #tpu.memory_space<hbm>>
      tpu.wait_indirect_dma semaphore(%arg11 : memref<!tpu.dma_semaphore, #tpu.memory_space<semaphore_mem>>) src(%dma_wait3A_42 : memref<8192x256xf32, #tpu.memory_space<hbm>>) dst(%arg8 : memref<128x256xf32, #tpu.memory_space<vmem>>)
      %dma_wait3A_43 = arith.constant 0 : i32
      %dma_wait3A_44 = arith.constant 0 : i32
      %dma_wait3A_45 = tpu.memref_slice %arg3[%dma_wait3A_43, %dma_wait3A_44] : memref<8192x256xf32, #tpu.memory_space<hbm>> -> memref<8192x256xf32, #tpu.memory_space<hbm>>
      tpu.wait_indirect_dma semaphore(%arg11 : memref<!tpu.dma_semaphore, #tpu.memory_space<semaphore_mem>>) src(%dma_wait3A_45 : memref<8192x256xf32, #tpu.memory_space<hbm>>) dst(%arg9 : memref<128x256xf32, #tpu.memory_space<vmem>>)
      %dma_wait3A_46 = arith.constant 0 : i32
      %dma_wait3A_47 = arith.constant 0 : i32
      %dma_wait3A_48 = tpu.memref_slice %arg3[%dma_wait3A_46, %dma_wait3A_47] : memref<8192x256xf32, #tpu.memory_space<hbm>> -> memref<8192x256xf32, #tpu.memory_space<hbm>>
      tpu.wait_indirect_dma semaphore(%arg11 : memref<!tpu.dma_semaphore, #tpu.memory_space<semaphore_mem>>) src(%dma_wait3A_48 : memref<8192x256xf32, #tpu.memory_space<hbm>>) dst(%arg10 : memref<128x256xf32, #tpu.memory_space<vmem>>)
      %mul3A_49 = arith.constant 128 : i32
      %mul3A_50 = arith.muli %scan3A_27, %mul3A_49 : i32
      %add3A_51 = arith.addi %mul3A_2, %mul3A_50 : i32
      %run_scoped3A_52 = arith.constant 0 : i32
      "tpu.region"() ({
        %run_scoped3A_55 = tpu.sem_alloc : memref<!tpu.dma_semaphore, #tpu.memory_space<semaphore_mem>>
        %dma_start3A_56 = arith.constant 0 : i32
        %dma_start3A_57 = tpu.memref_slice %arg4[%run_scoped3A_52, %add3A_51, %dma_start3A_56] : memref<3x16384x256xf32, #tpu.memory_space<hbm>> -> memref<1x128x256xf32, #tpu.memory_space<hbm>>
        %dma_start3A_58 = tpu.memref_squeeze %dma_start3A_57 : memref<1x128x256xf32, #tpu.memory_space<hbm>> -> memref<128x256xf32, #tpu.memory_space<hbm>>
        %dma_start3A_59 = arith.constant 0 : i32
        %dma_start3A_60 = tpu.memref_slice %arg4[%run_scoped3A_52, %add3A_51, %dma_start3A_59] : memref<3x16384x256xf32, #tpu.memory_space<hbm>> -> memref<1x128x256xf32, #tpu.memory_space<hbm>>
        %dma_start3A_61 = tpu.memref_squeeze %dma_start3A_60 : memref<1x128x256xf32, #tpu.memory_space<hbm>> -> memref<128x256xf32, #tpu.memory_space<hbm>>
        tpu.enqueue_dma source(%arg8 : memref<128x256xf32, #tpu.memory_space<vmem>>) target(%dma_start3A_61 : memref<128x256xf32, #tpu.memory_space<hbm>>) target_semaphore(%run_scoped3A_55 : memref<!tpu.dma_semaphore, #tpu.memory_space<semaphore_mem>>)
        %dma_wait3A_62 = arith.constant 0 : i32
        %dma_wait3A_63 = tpu.memref_slice %arg4[%run_scoped3A_52, %add3A_51, %dma_wait3A_62] : memref<3x16384x256xf32, #tpu.memory_space<hbm>> -> memref<1x128x256xf32, #tpu.memory_space<hbm>>
        %dma_wait3A_64 = tpu.memref_squeeze %dma_wait3A_63 : memref<1x128x256xf32, #tpu.memory_space<hbm>> -> memref<128x256xf32, #tpu.memory_space<hbm>>
        %dma_wait3A_65 = arith.constant 0 : i32
        %dma_wait3A_66 = tpu.memref_slice %arg4[%run_scoped3A_52, %add3A_51, %dma_wait3A_65] : memref<3x16384x256xf32, #tpu.memory_space<hbm>> -> memref<1x128x256xf32, #tpu.memory_space<hbm>>
        %dma_wait3A_67 = tpu.memref_squeeze %dma_wait3A_66 : memref<1x128x256xf32, #tpu.memory_space<hbm>> -> memref<128x256xf32, #tpu.memory_space<hbm>>
        tpu.wait_dma2 semaphore(%run_scoped3A_55 : memref<!tpu.dma_semaphore, #tpu.memory_space<semaphore_mem>>) src(%arg8 : memref<128x256xf32, #tpu.memory_space<vmem>>) dst(%dma_wait3A_67 : memref<128x256xf32, #tpu.memory_space<hbm>>)
        tpu.yield
      }) : () -> ()
      %run_scoped3A_53 = arith.constant 1 : i32
      "tpu.region"() ({
        %run_scoped3A_55 = tpu.sem_alloc : memref<!tpu.dma_semaphore, #tpu.memory_space<semaphore_mem>>
        %dma_start3A_56 = arith.constant 0 : i32
        %dma_start3A_57 = tpu.memref_slice %arg4[%run_scoped3A_53, %add3A_51, %dma_start3A_56] : memref<3x16384x256xf32, #tpu.memory_space<hbm>> -> memref<1x128x256xf32, #tpu.memory_space<hbm>>
        %dma_start3A_58 = tpu.memref_squeeze %dma_start3A_57 : memref<1x128x256xf32, #tpu.memory_space<hbm>> -> memref<128x256xf32, #tpu.memory_space<hbm>>
        %dma_start3A_59 = arith.constant 0 : i32
        %dma_start3A_60 = tpu.memref_slice %arg4[%run_scoped3A_53, %add3A_51, %dma_start3A_59] : memref<3x16384x256xf32, #tpu.memory_space<hbm>> -> memref<1x128x256xf32, #tpu.memory_space<hbm>>
        %dma_start3A_61 = tpu.memref_squeeze %dma_start3A_60 : memref<1x128x256xf32, #tpu.memory_space<hbm>> -> memref<128x256xf32, #tpu.memory_space<hbm>>
        tpu.enqueue_dma source(%arg9 : memref<128x256xf32, #tpu.memory_space<vmem>>) target(%dma_start3A_61 : memref<128x256xf32, #tpu.memory_space<hbm>>) target_semaphore(%run_scoped3A_55 : memref<!tpu.dma_semaphore, #tpu.memory_space<semaphore_mem>>)
        %dma_wait3A_62 = arith.constant 0 : i32
        %dma_wait3A_63 = tpu.memref_slice %arg4[%run_scoped3A_53, %add3A_51, %dma_wait3A_62] : memref<3x16384x256xf32, #tpu.memory_space<hbm>> -> memref<1x128x256xf32, #tpu.memory_space<hbm>>
        %dma_wait3A_64 = tpu.memref_squeeze %dma_wait3A_63 : memref<1x128x256xf32, #tpu.memory_space<hbm>> -> memref<128x256xf32, #tpu.memory_space<hbm>>
        %dma_wait3A_65 = arith.constant 0 : i32
        %dma_wait3A_66 = tpu.memref_slice %arg4[%run_scoped3A_53, %add3A_51, %dma_wait3A_65] : memref<3x16384x256xf32, #tpu.memory_space<hbm>> -> memref<1x128x256xf32, #tpu.memory_space<hbm>>
        %dma_wait3A_67 = tpu.memref_squeeze %dma_wait3A_66 : memref<1x128x256xf32, #tpu.memory_space<hbm>> -> memref<128x256xf32, #tpu.memory_space<hbm>>
        tpu.wait_dma2 semaphore(%run_scoped3A_55 : memref<!tpu.dma_semaphore, #tpu.memory_space<semaphore_mem>>) src(%arg9 : memref<128x256xf32, #tpu.memory_space<vmem>>) dst(%dma_wait3A_67 : memref<128x256xf32, #tpu.memory_space<hbm>>)
        tpu.yield
      }) : () -> ()
      %run_scoped3A_54 = arith.constant 2 : i32
      "tpu.region"() ({
        %run_scoped3A_55 = tpu.sem_alloc : memref<!tpu.dma_semaphore, #tpu.memory_space<semaphore_mem>>
        %dma_start3A_56 = arith.constant 0 : i32
        %dma_start3A_57 = tpu.memref_slice %arg4[%run_scoped3A_54, %add3A_51, %dma_start3A_56] : memref<3x16384x256xf32, #tpu.memory_space<hbm>> -> memref<1x128x256xf32, #tpu.memory_space<hbm>>
        %dma_start3A_58 = tpu.memref_squeeze %dma_start3A_57 : memref<1x128x256xf32, #tpu.memory_space<hbm>> -> memref<128x256xf32, #tpu.memory_space<hbm>>
        %dma_start3A_59 = arith.constant 0 : i32
        %dma_start3A_60 = tpu.memref_slice %arg4[%run_scoped3A_54, %add3A_51, %dma_start3A_59] : memref<3x16384x256xf32, #tpu.memory_space<hbm>> -> memref<1x128x256xf32, #tpu.memory_space<hbm>>
        %dma_start3A_61 = tpu.memref_squeeze %dma_start3A_60 : memref<1x128x256xf32, #tpu.memory_space<hbm>> -> memref<128x256xf32, #tpu.memory_space<hbm>>
        tpu.enqueue_dma source(%arg10 : memref<128x256xf32, #tpu.memory_space<vmem>>) target(%dma_start3A_61 : memref<128x256xf32, #tpu.memory_space<hbm>>) target_semaphore(%run_scoped3A_55 : memref<!tpu.dma_semaphore, #tpu.memory_space<semaphore_mem>>)
        %dma_wait3A_62 = arith.constant 0 : i32
        %dma_wait3A_63 = tpu.memref_slice %arg4[%run_scoped3A_54, %add3A_51, %dma_wait3A_62] : memref<3x16384x256xf32, #tpu.memory_space<hbm>> -> memref<1x128x256xf32, #tpu.memory_space<hbm>>
        %dma_wait3A_64 = tpu.memref_squeeze %dma_wait3A_63 : memref<1x128x256xf32, #tpu.memory_space<hbm>> -> memref<128x256xf32, #tpu.memory_space<hbm>>
        %dma_wait3A_65 = arith.constant 0 : i32
        %dma_wait3A_66 = tpu.memref_slice %arg4[%run_scoped3A_54, %add3A_51, %dma_wait3A_65] : memref<3x16384x256xf32, #tpu.memory_space<hbm>> -> memref<1x128x256xf32, #tpu.memory_space<hbm>>
        %dma_wait3A_67 = tpu.memref_squeeze %dma_wait3A_66 : memref<1x128x256xf32, #tpu.memory_space<hbm>> -> memref<128x256xf32, #tpu.memory_space<hbm>>
        tpu.wait_dma2 semaphore(%run_scoped3A_55 : memref<!tpu.dma_semaphore, #tpu.memory_space<semaphore_mem>>) src(%arg10 : memref<128x256xf32, #tpu.memory_space<vmem>>) dst(%dma_wait3A_67 : memref<128x256xf32, #tpu.memory_space<hbm>>)
        tpu.yield
      }) : () -> ()
    }
    %scan3A_26 = arith.constant 4 : i32
    return
  }
}

#map = affine_map<(d0, d1) -> (0, 0, 0)>
#map1 = affine_map<(d0, d1) -> (0, 0)>
module attributes {stable_mosaic.version = 14 : i64} {
  func.func @_sc_gather(%arg0: i32, %arg1: i32, %arg2: memref<4x8x4096xi32, #tpu.memory_space<hbm>>, %arg3: memref<8192x256xf32, #tpu.memory_space<hbm>>, %arg4: memref<3x16384x256xf32, #tpu.memory_space<hbm>>, %arg5: memref<128xi32, #tpu.memory_space<vmem>>, %arg6: memref<128xi32, #tpu.memory_space<vmem>>, %arg7: memref<128xi32, #tpu.memory_space<vmem>>, %arg8: memref<128x256xf32, #tpu.memory_space<vmem>>, %arg9: memref<128x256xf32, #tpu.memory_space<vmem>>, %arg10: memref<128x256xf32, #tpu.memory_space<vmem>>, %arg11: memref<!tpu.dma_semaphore, #tpu.memory_space<semaphore_mem>>) attributes {dimension_semantics = [#tpu.dimension_semantics<core_parallel>, #tpu.dimension_semantics<subcore_parallel>], iteration_bounds = array<i64: 2, 16>, scalar_prefetch = 0 : i64, scratch_operands = 7 : i64, tpu.core_type = #tpu.core_type<sc_vector_subcore>, window_params = [{transform_indices = #map}, {transform_indices = #map1}, {transform_indices = #map}]} {
    %mul3A = arith.constant 2 : i32
    %mul3A_0 = arith.muli %arg1, %mul3A : i32
    %add3A = arith.addi %mul3A_0, %arg0 : i32
    %mul3A_1 = arith.constant 512 : i32
    %mul3A_2 = arith.muli %add3A, %mul3A_1 : i32
    %jit3A = arith.constant 4096 : i32
    %div3A = arith.divsi %mul3A_2, %jit3A : i32
    %sign3A = arith.constant 0 : i32
    %sign3A_3 = arith.cmpi sgt, %mul3A_2, %sign3A : i32
    %sign3A_4 = arith.extui %sign3A_3 : i1 to i32
    %sign3A_5 = arith.constant 0 : i32
    %sign3A_6 = arith.cmpi slt, %mul3A_2, %sign3A_5 : i32
    %sign3A_7 = arith.extui %sign3A_6 : i1 to i32
    %sign3A_8 = arith.subi %sign3A_4, %sign3A_7 : i32
    %sign3A_9 = arith.constant 0 : i32
    %sign3A_10 = arith.cmpi sgt, %jit3A, %sign3A_9 : i32
    %sign3A_11 = arith.extui %sign3A_10 : i1 to i32
    %sign3A_12 = arith.constant 0 : i32
    %sign3A_13 = arith.cmpi slt, %jit3A, %sign3A_12 : i32
    %sign3A_14 = arith.extui %sign3A_13 : i1 to i32
    %sign3A_15 = arith.subi %sign3A_11, %sign3A_14 : i32
    %ne3A = arith.cmpi ne, %sign3A_8, %sign3A_15 : i32
    %rem3A = arith.remsi %mul3A_2, %jit3A : i32
    %ne3A_16 = arith.constant 0 : i32
    %ne3A_17 = arith.cmpi ne, %rem3A, %ne3A_16 : i32
    %and3A = arith.andi %ne3A, %ne3A_17 : i1
    %sub3A = arith.constant 1 : i32
    %sub3A_18 = arith.subi %div3A, %sub3A : i32
    %select_n3A = arith.select %and3A, %sub3A_18, %div3A : i32
    %mul3A_19 = arith.constant 4096 : i32
    %mul3A_20 = arith.muli %select_n3A, %mul3A_19 : i32
    %sub3A_21 = arith.subi %mul3A_2, %mul3A_20 : i32
    %scan3A = arith.constant 0 : i32
    %scan3A_22 = arith.constant 0 : i32
    %scan3A_23 = arith.constant 4 : i32
    %scan3A_24 = arith.addi %scan3A_22, %scan3A_23 : i32
    %scan3A_25 = arith.constant 1 : i32
    scf.for %scan3A_27 = %scan3A_22 to %scan3A_24 step %scan3A_25  : i32 {
      %mul3A_28 = arith.constant 128 : i32
      %mul3A_29 = arith.muli %scan3A_27, %mul3A_28 : i32
      %add3A_30 = arith.addi %sub3A_21, %mul3A_29 : i32
      %run_scoped3A = arith.constant 0 : i32
      "tpu.region"() ({
        %run_scoped3A_55 = tpu.sem_alloc : memref<!tpu.dma_semaphore, #tpu.memory_space<semaphore_mem>>
        %dma_start3A_56 = tpu.memref_slice %arg2[%select_n3A, %run_scoped3A, %add3A_30] : memref<4x8x4096xi32, #tpu.memory_space<hbm>> -> memref<1x1x128xi32, #tpu.memory_space<hbm>>
        %dma_start3A_57 = tpu.memref_squeeze %dma_start3A_56 : memref<1x1x128xi32, #tpu.memory_space<hbm>> -> memref<128xi32, #tpu.memory_space<hbm>>
        %dma_start3A_58 = tpu.memref_slice %arg2[%select_n3A, %run_scoped3A, %add3A_30] : memref<4x8x4096xi32, #tpu.memory_space<hbm>> -> memref<1x1x128xi32, #tpu.memory_space<hbm>>
        %dma_start3A_59 = tpu.memref_squeeze %dma_start3A_58 : memref<1x1x128xi32, #tpu.memory_space<hbm>> -> memref<128xi32, #tpu.memory_space<hbm>>
        tpu.enqueue_dma source(%dma_start3A_59 : memref<128xi32, #tpu.memory_space<hbm>>) target(%arg5 : memref<128xi32, #tpu.memory_space<vmem>>) target_semaphore(%run_scoped3A_55 : memref<!tpu.dma_semaphore, #tpu.memory_space<semaphore_mem>>)
        %dma_wait3A_60 = tpu.memref_slice %arg2[%select_n3A, %run_scoped3A, %add3A_30] : memref<4x8x4096xi32, #tpu.memory_space<hbm>> -> memref<1x1x128xi32, #tpu.memory_space<hbm>>
        %dma_wait3A_61 = tpu.memref_squeeze %dma_wait3A_60 : memref<1x1x128xi32, #tpu.memory_space<hbm>> -> memref<128xi32, #tpu.memory_space<hbm>>
        %dma_wait3A_62 = tpu.memref_slice %arg2[%select_n3A, %run_scoped3A, %add3A_30] : memref<4x8x4096xi32, #tpu.memory_space<hbm>> -> memref<1x1x128xi32, #tpu.memory_space<hbm>>
        %dma_wait3A_63 = tpu.memref_squeeze %dma_wait3A_62 : memref<1x1x128xi32, #tpu.memory_space<hbm>> -> memref<128xi32, #tpu.memory_space<hbm>>
        tpu.wait_dma2 semaphore(%run_scoped3A_55 : memref<!tpu.dma_semaphore, #tpu.memory_space<semaphore_mem>>) src(%dma_wait3A_63 : memref<128xi32, #tpu.memory_space<hbm>>) dst(%arg5 : memref<128xi32, #tpu.memory_space<vmem>>)
        tpu.yield
      }) : () -> ()
      %run_scoped3A_31 = arith.constant 1 : i32
      "tpu.region"() ({
        %run_scoped3A_55 = tpu.sem_alloc : memref<!tpu.dma_semaphore, #tpu.memory_space<semaphore_mem>>
        %dma_start3A_56 = tpu.memref_slice %arg2[%select_n3A, %run_scoped3A_31, %add3A_30] : memref<4x8x4096xi32, #tpu.memory_space<hbm>> -> memref<1x1x128xi32, #tpu.memory_space<hbm>>
        %dma_start3A_57 = tpu.memref_squeeze %dma_start3A_56 : memref<1x1x128xi32, #tpu.memory_space<hbm>> -> memref<128xi32, #tpu.memory_space<hbm>>
        %dma_start3A_58 = tpu.memref_slice %arg2[%select_n3A, %run_scoped3A_31, %add3A_30] : memref<4x8x4096xi32, #tpu.memory_space<hbm>> -> memref<1x1x128xi32, #tpu.memory_space<hbm>>
        %dma_start3A_59 = tpu.memref_squeeze %dma_start3A_58 : memref<1x1x128xi32, #tpu.memory_space<hbm>> -> memref<128xi32, #tpu.memory_space<hbm>>
        tpu.enqueue_dma source(%dma_start3A_59 : memref<128xi32, #tpu.memory_space<hbm>>) target(%arg6 : memref<128xi32, #tpu.memory_space<vmem>>) target_semaphore(%run_scoped3A_55 : memref<!tpu.dma_semaphore, #tpu.memory_space<semaphore_mem>>)
        %dma_wait3A_60 = tpu.memref_slice %arg2[%select_n3A, %run_scoped3A_31, %add3A_30] : memref<4x8x4096xi32, #tpu.memory_space<hbm>> -> memref<1x1x128xi32, #tpu.memory_space<hbm>>
        %dma_wait3A_61 = tpu.memref_squeeze %dma_wait3A_60 : memref<1x1x128xi32, #tpu.memory_space<hbm>> -> memref<128xi32, #tpu.memory_space<hbm>>
        %dma_wait3A_62 = tpu.memref_slice %arg2[%select_n3A, %run_scoped3A_31, %add3A_30] : memref<4x8x4096xi32, #tpu.memory_space<hbm>> -> memref<1x1x128xi32, #tpu.memory_space<hbm>>
        %dma_wait3A_63 = tpu.memref_squeeze %dma_wait3A_62 : memref<1x1x128xi32, #tpu.memory_space<hbm>> -> memref<128xi32, #tpu.memory_space<hbm>>
        tpu.wait_dma2 semaphore(%run_scoped3A_55 : memref<!tpu.dma_semaphore, #tpu.memory_space<semaphore_mem>>) src(%dma_wait3A_63 : memref<128xi32, #tpu.memory_space<hbm>>) dst(%arg6 : memref<128xi32, #tpu.memory_space<vmem>>)
        tpu.yield
      }) : () -> ()
      %run_scoped3A_32 = arith.constant 2 : i32
      "tpu.region"() ({
        %run_scoped3A_55 = tpu.sem_alloc : memref<!tpu.dma_semaphore, #tpu.memory_space<semaphore_mem>>
        %dma_start3A_56 = tpu.memref_slice %arg2[%select_n3A, %run_scoped3A_32, %add3A_30] : memref<4x8x4096xi32, #tpu.memory_space<hbm>> -> memref<1x1x128xi32, #tpu.memory_space<hbm>>
        %dma_start3A_57 = tpu.memref_squeeze %dma_start3A_56 : memref<1x1x128xi32, #tpu.memory_space<hbm>> -> memref<128xi32, #tpu.memory_space<hbm>>
        %dma_start3A_58 = tpu.memref_slice %arg2[%select_n3A, %run_scoped3A_32, %add3A_30] : memref<4x8x4096xi32, #tpu.memory_space<hbm>> -> memref<1x1x128xi32, #tpu.memory_space<hbm>>
        %dma_start3A_59 = tpu.memref_squeeze %dma_start3A_58 : memref<1x1x128xi32, #tpu.memory_space<hbm>> -> memref<128xi32, #tpu.memory_space<hbm>>
        tpu.enqueue_dma source(%dma_start3A_59 : memref<128xi32, #tpu.memory_space<hbm>>) target(%arg7 : memref<128xi32, #tpu.memory_space<vmem>>) target_semaphore(%run_scoped3A_55 : memref<!tpu.dma_semaphore, #tpu.memory_space<semaphore_mem>>)
        %dma_wait3A_60 = tpu.memref_slice %arg2[%select_n3A, %run_scoped3A_32, %add3A_30] : memref<4x8x4096xi32, #tpu.memory_space<hbm>> -> memref<1x1x128xi32, #tpu.memory_space<hbm>>
        %dma_wait3A_61 = tpu.memref_squeeze %dma_wait3A_60 : memref<1x1x128xi32, #tpu.memory_space<hbm>> -> memref<128xi32, #tpu.memory_space<hbm>>
        %dma_wait3A_62 = tpu.memref_slice %arg2[%select_n3A, %run_scoped3A_32, %add3A_30] : memref<4x8x4096xi32, #tpu.memory_space<hbm>> -> memref<1x1x128xi32, #tpu.memory_space<hbm>>
        %dma_wait3A_63 = tpu.memref_squeeze %dma_wait3A_62 : memref<1x1x128xi32, #tpu.memory_space<hbm>> -> memref<128xi32, #tpu.memory_space<hbm>>
        tpu.wait_dma2 semaphore(%run_scoped3A_55 : memref<!tpu.dma_semaphore, #tpu.memory_space<semaphore_mem>>) src(%dma_wait3A_63 : memref<128xi32, #tpu.memory_space<hbm>>) dst(%arg7 : memref<128xi32, #tpu.memory_space<vmem>>)
        tpu.yield
      }) : () -> ()
      %dma_start3A = arith.constant 0 : i32
      %dma_start3A_33 = arith.constant 0 : i32
      %dma_start3A_34 = tpu.memref_slice %arg3[%dma_start3A, %dma_start3A_33] : memref<8192x256xf32, #tpu.memory_space<hbm>> -> memref<8192x256xf32, #tpu.memory_space<hbm>>
      tpu.enqueue_indirect_dma source(%dma_start3A_34 : memref<8192x256xf32, #tpu.memory_space<hbm>>) target(%arg8 : memref<128x256xf32, #tpu.memory_space<vmem>>) offsets(%arg5 : memref<128xi32, #tpu.memory_space<vmem>>) semaphore(%arg11 : memref<!tpu.dma_semaphore, #tpu.memory_space<semaphore_mem>>)
      %dma_start3A_35 = arith.constant 0 : i32
      %dma_start3A_36 = arith.constant 0 : i32
      %dma_start3A_37 = tpu.memref_slice %arg3[%dma_start3A_35, %dma_start3A_36] : memref<8192x256xf32, #tpu.memory_space<hbm>> -> memref<8192x256xf32, #tpu.memory_space<hbm>>
      tpu.enqueue_indirect_dma source(%dma_start3A_37 : memref<8192x256xf32, #tpu.memory_space<hbm>>) target(%arg9 : memref<128x256xf32, #tpu.memory_space<vmem>>) offsets(%arg6 : memref<128xi32, #tpu.memory_space<vmem>>) semaphore(%arg11 : memref<!tpu.dma_semaphore, #tpu.memory_space<semaphore_mem>>)
      %dma_start3A_38 = arith.constant 0 : i32
      %dma_start3A_39 = arith.constant 0 : i32
      %dma_start3A_40 = tpu.memref_slice %arg3[%dma_start3A_38, %dma_start3A_39] : memref<8192x256xf32, #tpu.memory_space<hbm>> -> memref<8192x256xf32, #tpu.memory_space<hbm>>
      tpu.enqueue_indirect_dma source(%dma_start3A_40 : memref<8192x256xf32, #tpu.memory_space<hbm>>) target(%arg10 : memref<128x256xf32, #tpu.memory_space<vmem>>) offsets(%arg7 : memref<128xi32, #tpu.memory_space<vmem>>) semaphore(%arg11 : memref<!tpu.dma_semaphore, #tpu.memory_space<semaphore_mem>>)
      %dma_wait3A = arith.constant 0 : i32
      %dma_wait3A_41 = arith.constant 0 : i32
      %dma_wait3A_42 = tpu.memref_slice %arg3[%dma_wait3A, %dma_wait3A_41] : memref<8192x256xf32, #tpu.memory_space<hbm>> -> memref<8192x256xf32, #tpu.memory_space<hbm>>
      tpu.wait_indirect_dma semaphore(%arg11 : memref<!tpu.dma_semaphore, #tpu.memory_space<semaphore_mem>>) src(%dma_wait3A_42 : memref<8192x256xf32, #tpu.memory_space<hbm>>) dst(%arg8 : memref<128x256xf32, #tpu.memory_space<vmem>>)
      %dma_wait3A_43 = arith.constant 0 : i32
      %dma_wait3A_44 = arith.constant 0 : i32
      %dma_wait3A_45 = tpu.memref_slice %arg3[%dma_wait3A_43, %dma_wait3A_44] : memref<8192x256xf32, #tpu.memory_space<hbm>> -> memref<8192x256xf32, #tpu.memory_space<hbm>>
      tpu.wait_indirect_dma semaphore(%arg11 : memref<!tpu.dma_semaphore, #tpu.memory_space<semaphore_mem>>) src(%dma_wait3A_45 : memref<8192x256xf32, #tpu.memory_space<hbm>>) dst(%arg9 : memref<128x256xf32, #tpu.memory_space<vmem>>)
      %dma_wait3A_46 = arith.constant 0 : i32
      %dma_wait3A_47 = arith.constant 0 : i32
      %dma_wait3A_48 = tpu.memref_slice %arg3[%dma_wait3A_46, %dma_wait3A_47] : memref<8192x256xf32, #tpu.memory_space<hbm>> -> memref<8192x256xf32, #tpu.memory_space<hbm>>
      tpu.wait_indirect_dma semaphore(%arg11 : memref<!tpu.dma_semaphore, #tpu.memory_space<semaphore_mem>>) src(%dma_wait3A_48 : memref<8192x256xf32, #tpu.memory_space<hbm>>) dst(%arg10 : memref<128x256xf32, #tpu.memory_space<vmem>>)
      %mul3A_49 = arith.constant 128 : i32
      %mul3A_50 = arith.muli %scan3A_27, %mul3A_49 : i32
      %add3A_51 = arith.addi %mul3A_2, %mul3A_50 : i32
      %run_scoped3A_52 = arith.constant 0 : i32
      "tpu.region"() ({
        %run_scoped3A_55 = tpu.sem_alloc : memref<!tpu.dma_semaphore, #tpu.memory_space<semaphore_mem>>
        %dma_start3A_56 = arith.constant 0 : i32
        %dma_start3A_57 = tpu.memref_slice %arg4[%run_scoped3A_52, %add3A_51, %dma_start3A_56] : memref<3x16384x256xf32, #tpu.memory_space<hbm>> -> memref<1x128x256xf32, #tpu.memory_space<hbm>>
        %dma_start3A_58 = tpu.memref_squeeze %dma_start3A_57 : memref<1x128x256xf32, #tpu.memory_space<hbm>> -> memref<128x256xf32, #tpu.memory_space<hbm>>
        %dma_start3A_59 = arith.constant 0 : i32
        %dma_start3A_60 = tpu.memref_slice %arg4[%run_scoped3A_52, %add3A_51, %dma_start3A_59] : memref<3x16384x256xf32, #tpu.memory_space<hbm>> -> memref<1x128x256xf32, #tpu.memory_space<hbm>>
        %dma_start3A_61 = tpu.memref_squeeze %dma_start3A_60 : memref<1x128x256xf32, #tpu.memory_space<hbm>> -> memref<128x256xf32, #tpu.memory_space<hbm>>
        tpu.enqueue_dma source(%arg8 : memref<128x256xf32, #tpu.memory_space<vmem>>) target(%dma_start3A_61 : memref<128x256xf32, #tpu.memory_space<hbm>>) target_semaphore(%run_scoped3A_55 : memref<!tpu.dma_semaphore, #tpu.memory_space<semaphore_mem>>)
        %dma_wait3A_62 = arith.constant 0 : i32
        %dma_wait3A_63 = tpu.memref_slice %arg4[%run_scoped3A_52, %add3A_51, %dma_wait3A_62] : memref<3x16384x256xf32, #tpu.memory_space<hbm>> -> memref<1x128x256xf32, #tpu.memory_space<hbm>>
        %dma_wait3A_64 = tpu.memref_squeeze %dma_wait3A_63 : memref<1x128x256xf32, #tpu.memory_space<hbm>> -> memref<128x256xf32, #tpu.memory_space<hbm>>
        %dma_wait3A_65 = arith.constant 0 : i32
        %dma_wait3A_66 = tpu.memref_slice %arg4[%run_scoped3A_52, %add3A_51, %dma_wait3A_65] : memref<3x16384x256xf32, #tpu.memory_space<hbm>> -> memref<1x128x256xf32, #tpu.memory_space<hbm>>
        %dma_wait3A_67 = tpu.memref_squeeze %dma_wait3A_66 : memref<1x128x256xf32, #tpu.memory_space<hbm>> -> memref<128x256xf32, #tpu.memory_space<hbm>>
        tpu.wait_dma2 semaphore(%run_scoped3A_55 : memref<!tpu.dma_semaphore, #tpu.memory_space<semaphore_mem>>) src(%arg8 : memref<128x256xf32, #tpu.memory_space<vmem>>) dst(%dma_wait3A_67 : memref<128x256xf32, #tpu.memory_space<hbm>>)
        tpu.yield
      }) : () -> ()
      %run_scoped3A_53 = arith.constant 1 : i32
      "tpu.region"() ({
        %run_scoped3A_55 = tpu.sem_alloc : memref<!tpu.dma_semaphore, #tpu.memory_space<semaphore_mem>>
        %dma_start3A_56 = arith.constant 0 : i32
        %dma_start3A_57 = tpu.memref_slice %arg4[%run_scoped3A_53, %add3A_51, %dma_start3A_56] : memref<3x16384x256xf32, #tpu.memory_space<hbm>> -> memref<1x128x256xf32, #tpu.memory_space<hbm>>
        %dma_start3A_58 = tpu.memref_squeeze %dma_start3A_57 : memref<1x128x256xf32, #tpu.memory_space<hbm>> -> memref<128x256xf32, #tpu.memory_space<hbm>>
        %dma_start3A_59 = arith.constant 0 : i32
        %dma_start3A_60 = tpu.memref_slice %arg4[%run_scoped3A_53, %add3A_51, %dma_start3A_59] : memref<3x16384x256xf32, #tpu.memory_space<hbm>> -> memref<1x128x256xf32, #tpu.memory_space<hbm>>
        %dma_start3A_61 = tpu.memref_squeeze %dma_start3A_60 : memref<1x128x256xf32, #tpu.memory_space<hbm>> -> memref<128x256xf32, #tpu.memory_space<hbm>>
        tpu.enqueue_dma source(%arg9 : memref<128x256xf32, #tpu.memory_space<vmem>>) target(%dma_start3A_61 : memref<128x256xf32, #tpu.memory_space<hbm>>) target_semaphore(%run_scoped3A_55 : memref<!tpu.dma_semaphore, #tpu.memory_space<semaphore_mem>>)
        %dma_wait3A_62 = arith.constant 0 : i32
        %dma_wait3A_63 = tpu.memref_slice %arg4[%run_scoped3A_53, %add3A_51, %dma_wait3A_62] : memref<3x16384x256xf32, #tpu.memory_space<hbm>> -> memref<1x128x256xf32, #tpu.memory_space<hbm>>
        %dma_wait3A_64 = tpu.memref_squeeze %dma_wait3A_63 : memref<1x128x256xf32, #tpu.memory_space<hbm>> -> memref<128x256xf32, #tpu.memory_space<hbm>>
        %dma_wait3A_65 = arith.constant 0 : i32
        %dma_wait3A_66 = tpu.memref_slice %arg4[%run_scoped3A_53, %add3A_51, %dma_wait3A_65] : memref<3x16384x256xf32, #tpu.memory_space<hbm>> -> memref<1x128x256xf32, #tpu.memory_space<hbm>>
        %dma_wait3A_67 = tpu.memref_squeeze %dma_wait3A_66 : memref<1x128x256xf32, #tpu.memory_space<hbm>> -> memref<128x256xf32, #tpu.memory_space<hbm>>
        tpu.wait_dma2 semaphore(%run_scoped3A_55 : memref<!tpu.dma_semaphore, #tpu.memory_space<semaphore_mem>>) src(%arg9 : memref<128x256xf32, #tpu.memory_space<vmem>>) dst(%dma_wait3A_67 : memref<128x256xf32, #tpu.memory_space<hbm>>)
        tpu.yield
      }) : () -> ()
      %run_scoped3A_54 = arith.constant 2 : i32
      "tpu.region"() ({
        %run_scoped3A_55 = tpu.sem_alloc : memref<!tpu.dma_semaphore, #tpu.memory_space<semaphore_mem>>
        %dma_start3A_56 = arith.constant 0 : i32
        %dma_start3A_57 = tpu.memref_slice %arg4[%run_scoped3A_54, %add3A_51, %dma_start3A_56] : memref<3x16384x256xf32, #tpu.memory_space<hbm>> -> memref<1x128x256xf32, #tpu.memory_space<hbm>>
        %dma_start3A_58 = tpu.memref_squeeze %dma_start3A_57 : memref<1x128x256xf32, #tpu.memory_space<hbm>> -> memref<128x256xf32, #tpu.memory_space<hbm>>
        %dma_start3A_59 = arith.constant 0 : i32
        %dma_start3A_60 = tpu.memref_slice %arg4[%run_scoped3A_54, %add3A_51, %dma_start3A_59] : memref<3x16384x256xf32, #tpu.memory_space<hbm>> -> memref<1x128x256xf32, #tpu.memory_space<hbm>>
        %dma_start3A_61 = tpu.memref_squeeze %dma_start3A_60 : memref<1x128x256xf32, #tpu.memory_space<hbm>> -> memref<128x256xf32, #tpu.memory_space<hbm>>
        tpu.enqueue_dma source(%arg10 : memref<128x256xf32, #tpu.memory_space<vmem>>) target(%dma_start3A_61 : memref<128x256xf32, #tpu.memory_space<hbm>>) target_semaphore(%run_scoped3A_55 : memref<!tpu.dma_semaphore, #tpu.memory_space<semaphore_mem>>)
        %dma_wait3A_62 = arith.constant 0 : i32
        %dma_wait3A_63 = tpu.memref_slice %arg4[%run_scoped3A_54, %add3A_51, %dma_wait3A_62] : memref<3x16384x256xf32, #tpu.memory_space<hbm>> -> memref<1x128x256xf32, #tpu.memory_space<hbm>>
        %dma_wait3A_64 = tpu.memref_squeeze %dma_wait3A_63 : memref<1x128x256xf32, #tpu.memory_space<hbm>> -> memref<128x256xf32, #tpu.memory_space<hbm>>
        %dma_wait3A_65 = arith.constant 0 : i32
        %dma_wait3A_66 = tpu.memref_slice %arg4[%run_scoped3A_54, %add3A_51, %dma_wait3A_65] : memref<3x16384x256xf32, #tpu.memory_space<hbm>> -> memref<1x128x256xf32, #tpu.memory_space<hbm>>
        %dma_wait3A_67 = tpu.memref_squeeze %dma_wait3A_66 : memref<1x128x256xf32, #tpu.memory_space<hbm>> -> memref<128x256xf32, #tpu.memory_space<hbm>>
        tpu.wait_dma2 semaphore(%run_scoped3A_55 : memref<!tpu.dma_semaphore, #tpu.memory_space<semaphore_mem>>) src(%arg10 : memref<128x256xf32, #tpu.memory_space<vmem>>) dst(%dma_wait3A_67 : memref<128x256xf32, #tpu.memory_space<hbm>>)
        tpu.yield
      }) : () -> ()
    }
    %scan3A_26 = arith.constant 4 : i32
    return
  }
}

module attributes {stable_mosaic.version = 14 : i64} {
  func.func @_stage1_body(%arg0: i32, %arg1: i32, %arg2: memref<1x1024x3xf32, #tpu.memory_space<vmem>>, %arg3: memref<1x1024x3xf32, #tpu.memory_space<vmem>>, %arg4: memref<1x8x1024xi32, #tpu.memory_space<vmem>>, %arg5: memref<1024x8xf32, #tpu.memory_space<vmem>>) attributes {dimension_semantics = [#tpu.dimension_semantics<arbitrary>, #tpu.dimension_semantics<arbitrary>], iteration_bounds = array<i64: 4, 4>, scalar_prefetch = 0 : i64, scratch_operands = 0 : i64, tpu.core_type = #tpu.core_type<tc>, window_params = [{transform_indices = @transform_0, window_bounds = array<i64: 1, 1024, 3>}, {transform_indices = @transform_1, window_bounds = array<i64: 1, 1024, 3>}, {transform_indices = @transform_2, window_bounds = array<i64: 1, 8, 1024>}, {transform_indices = @transform_3, window_bounds = array<i64: 1024, 8>}]} {
    %get3A = arith.constant 0 : index
    %get3A_0 = arith.constant 0 : index
    %get3A_1 = arith.constant 0 : index
    %get3A_2 = vector.load %arg2[%get3A, %get3A_0, %get3A_1] : memref<1x1024x3xf32, #tpu.memory_space<vmem>>, vector<1x1024x3xf32>
    %get3A_3 = vector.shape_cast %get3A_2 : vector<1x1024x3xf32> to vector<1024x3xf32>
    %get3A_4 = arith.constant 0 : index
    %get3A_5 = arith.constant 0 : index
    %get3A_6 = arith.constant 0 : index
    %get3A_7 = vector.load %arg3[%get3A_4, %get3A_5, %get3A_6] : memref<1x1024x3xf32, #tpu.memory_space<vmem>>, vector<1x1024x3xf32>
    %get3A_8 = vector.shape_cast %get3A_7 : vector<1x1024x3xf32> to vector<1024x3xf32>
    %mul3A = arith.mulf %get3A_8, %get3A_8 : vector<1024x3xf32>
    %reduce_sum3A = arith.constant dense<0.000000e+00> : vector<1024xf32>
    %reduce_sum3A_9 = vector.multi_reduction <add>, %mul3A, %reduce_sum3A [1] : vector<1024x3xf32> to vector<1024xf32>
    %broadcast_in_dim3A = vector.shape_cast %reduce_sum3A_9 : vector<1024xf32> to vector<1024x1xf32>
    %convert_element_type3A = arith.truncf %get3A_3 : vector<1024x3xf32> to vector<1024x3xbf16>
    %convert_element_type3A_10 = arith.truncf %get3A_8 : vector<1024x3xf32> to vector<1024x3xbf16>
    %dot_general3A = arith.constant dense<0.000000e+00> : vector<1024x1024xf32>
    %dot_general3A_11 = tpu.matmul %convert_element_type3A_10, %convert_element_type3A, %dot_general3A {dimension_numbers = #tpu.dot_dimension_numbers<[1], [1], [0], [0], [0, 0, 1, 0], [], []>, transpose_lhs_hint = false} : vector<1024x3xbf16>, vector<1024x3xbf16>, vector<1024x1024xf32> -> vector<1024x1024xf32>
    %mul3A_12 = arith.mulf %get3A_3, %get3A_3 : vector<1024x3xf32>
    %broadcast_in_dim3A_13 = arith.constant 1.000000e+00 : f32
    %broadcast_in_dim3A_14 = vector.broadcast %broadcast_in_dim3A_13 : f32 to vector<1x3xf32>
    %dot_general3A_15 = arith.constant dense<0.000000e+00> : vector<1x1024xf32>
    %dot_general3A_16 = tpu.matmul %broadcast_in_dim3A_14, %mul3A_12, %dot_general3A_15 {dimension_numbers = #tpu.dot_dimension_numbers<[1], [1], [0], [0], [0, 0, 1, 0], [], []>, precision = #tpu.contract_precision<fp32>, transpose_lhs_hint = false} : vector<1x3xf32>, vector<1024x3xf32>, vector<1x1024xf32> -> vector<1x1024xf32>
    %add3A = vector.broadcast %dot_general3A_16 : vector<1x1024xf32> to vector<1024x1024xf32>
    %add3A_17 = vector.broadcast %broadcast_in_dim3A : vector<1024x1xf32> to vector<1024x1024xf32>
    %add3A_18 = arith.addf %add3A, %add3A_17 : vector<1024x1024xf32>
    %mul3A_19 = arith.constant 2.000000e+00 : f32
    %mul3A_20 = vector.broadcast %mul3A_19 : f32 to vector<1024x1024xf32>
    %mul3A_21 = arith.mulf %mul3A_20, %dot_general3A_11 : vector<1024x1024xf32>
    %sub3A = arith.subf %add3A_18, %mul3A_21 : vector<1024x1024xf32>
    %iota3A = tpu.iota {dimensions = array<i32: 0>} : vector<1024x1024xi32>
    %reduce_min3A = arith.constant dense<0x7F800000> : vector<1024xf32>
    %reduce_min3A_22 = vector.multi_reduction <minimumf>, %sub3A, %reduce_min3A [0] : vector<1024x1024xf32> to vector<1024xf32>
    %broadcast_in_dim3A_23 = vector.shape_cast %reduce_min3A_22 : vector<1024xf32> to vector<1x1024xf32>
    %eq3A = vector.broadcast %broadcast_in_dim3A_23 : vector<1x1024xf32> to vector<1024x1024xf32>
    %eq3A_24 = arith.cmpf oeq, %sub3A, %eq3A : vector<1024x1024xf32>
    %jit3A = arith.constant 1024 : i32
    %broadcast_in_dim3A_25 = vector.broadcast %jit3A : i32 to vector<1024x1024xi32>
    %select_n3A = arith.select %eq3A_24, %iota3A, %broadcast_in_dim3A_25 : vector<1024x1024xi1>, vector<1024x1024xi32>
    %reduce_min3A_26 = arith.constant dense<2147483647> : vector<1024xi32>
    %reduce_min3A_27 = vector.multi_reduction <minsi>, %select_n3A, %reduce_min3A_26 [0] : vector<1024x1024xi32> to vector<1024xi32>
    %broadcast_in_dim3A_28 = vector.shape_cast %reduce_min3A_27 : vector<1024xi32> to vector<1x1024xi32>
    %eq3A_29 = vector.broadcast %broadcast_in_dim3A_28 : vector<1x1024xi32> to vector<1024x1024xi32>
    %eq3A_30 = arith.cmpi eq, %iota3A, %eq3A_29 : vector<1024x1024xi32>
    %jit3A_31 = arith.constant 0x7F800000 : f32
    %broadcast_in_dim3A_32 = vector.broadcast %jit3A_31 : f32 to vector<1024x1024xf32>
    %select_n3A_33 = arith.select %eq3A_30, %broadcast_in_dim3A_32, %sub3A : vector<1024x1024xi1>, vector<1024x1024xf32>
    %reduce_min3A_34 = arith.constant dense<0x7F800000> : vector<1024xf32>
    %reduce_min3A_35 = vector.multi_reduction <minimumf>, %select_n3A_33, %reduce_min3A_34 [0] : vector<1024x1024xf32> to vector<1024xf32>
    %broadcast_in_dim3A_36 = vector.shape_cast %reduce_min3A_35 : vector<1024xf32> to vector<1x1024xf32>
    %eq3A_37 = vector.broadcast %broadcast_in_dim3A_36 : vector<1x1024xf32> to vector<1024x1024xf32>
    %eq3A_38 = arith.cmpf oeq, %select_n3A_33, %eq3A_37 : vector<1024x1024xf32>
    %jit3A_39 = arith.constant 1024 : i32
    %broadcast_in_dim3A_40 = vector.broadcast %jit3A_39 : i32 to vector<1024x1024xi32>
    %select_n3A_41 = arith.select %eq3A_38, %iota3A, %broadcast_in_dim3A_40 : vector<1024x1024xi1>, vector<1024x1024xi32>
    %reduce_min3A_42 = arith.constant dense<2147483647> : vector<1024xi32>
    %reduce_min3A_43 = vector.multi_reduction <minsi>, %select_n3A_41, %reduce_min3A_42 [0] : vector<1024x1024xi32> to vector<1024xi32>
    %broadcast_in_dim3A_44 = vector.shape_cast %reduce_min3A_43 : vector<1024xi32> to vector<1x1024xi32>
    %eq3A_45 = vector.broadcast %broadcast_in_dim3A_44 : vector<1x1024xi32> to vector<1024x1024xi32>
    %eq3A_46 = arith.cmpi eq, %iota3A, %eq3A_45 : vector<1024x1024xi32>
    %jit3A_47 = arith.constant 0x7F800000 : f32
    %broadcast_in_dim3A_48 = vector.broadcast %jit3A_47 : f32 to vector<1024x1024xf32>
    %select_n3A_49 = arith.select %eq3A_46, %broadcast_in_dim3A_48, %select_n3A_33 : vector<1024x1024xi1>, vector<1024x1024xf32>
    %reduce_min3A_50 = arith.constant dense<0x7F800000> : vector<1024xf32>
    %reduce_min3A_51 = vector.multi_reduction <minimumf>, %select_n3A_49, %reduce_min3A_50 [0] : vector<1024x1024xf32> to vector<1024xf32>
    %broadcast_in_dim3A_52 = vector.shape_cast %reduce_min3A_51 : vector<1024xf32> to vector<1x1024xf32>
    %eq3A_53 = vector.broadcast %broadcast_in_dim3A_52 : vector<1x1024xf32> to vector<1024x1024xf32>
    %eq3A_54 = arith.cmpf oeq, %select_n3A_49, %eq3A_53 : vector<1024x1024xf32>
    %jit3A_55 = arith.constant 1024 : i32
    %broadcast_in_dim3A_56 = vector.broadcast %jit3A_55 : i32 to vector<1024x1024xi32>
    %select_n3A_57 = arith.select %eq3A_54, %iota3A, %broadcast_in_dim3A_56 : vector<1024x1024xi1>, vector<1024x1024xi32>
    %reduce_min3A_58 = arith.constant dense<2147483647> : vector<1024xi32>
    %reduce_min3A_59 = vector.multi_reduction <minsi>, %select_n3A_57, %reduce_min3A_58 [0] : vector<1024x1024xi32> to vector<1024xi32>
    %broadcast_in_dim3A_60 = vector.shape_cast %reduce_min3A_59 : vector<1024xi32> to vector<1x1024xi32>
    %add3A_61 = arith.constant 9.99999993E-9 : f32
    %add3A_62 = vector.broadcast %add3A_61 : f32 to vector<1x1024xf32>
    %add3A_63 = arith.addf %broadcast_in_dim3A_23, %add3A_62 : vector<1x1024xf32>
    %div3A = arith.constant 1.000000e+00 : f32
    %div3A_64 = vector.broadcast %div3A : f32 to vector<1x1024xf32>
    %div3A_65 = arith.divf %div3A_64, %add3A_63 : vector<1x1024xf32>
    %add3A_66 = arith.constant 9.99999993E-9 : f32
    %add3A_67 = vector.broadcast %add3A_66 : f32 to vector<1x1024xf32>
    %add3A_68 = arith.addf %broadcast_in_dim3A_36, %add3A_67 : vector<1x1024xf32>
    %div3A_69 = arith.constant 1.000000e+00 : f32
    %div3A_70 = vector.broadcast %div3A_69 : f32 to vector<1x1024xf32>
    %div3A_71 = arith.divf %div3A_70, %add3A_68 : vector<1x1024xf32>
    %add3A_72 = arith.constant 9.99999993E-9 : f32
    %add3A_73 = vector.broadcast %add3A_72 : f32 to vector<1x1024xf32>
    %add3A_74 = arith.addf %broadcast_in_dim3A_52, %add3A_73 : vector<1x1024xf32>
    %div3A_75 = arith.constant 1.000000e+00 : f32
    %div3A_76 = vector.broadcast %div3A_75 : f32 to vector<1x1024xf32>
    %div3A_77 = arith.divf %div3A_76, %add3A_74 : vector<1x1024xf32>
    %add3A_78 = arith.addf %div3A_65, %div3A_71 : vector<1x1024xf32>
    %add3A_79 = arith.addf %add3A_78, %div3A_77 : vector<1x1024xf32>
    %div3A_80 = arith.divf %div3A_65, %add3A_79 : vector<1x1024xf32>
    %div3A_81 = arith.divf %div3A_71, %add3A_79 : vector<1x1024xf32>
    %div3A_82 = arith.divf %div3A_77, %add3A_79 : vector<1x1024xf32>
    %add3A_83 = arith.constant 0 : i32
    %add3A_84 = arith.addi %arg0, %add3A_83 : i32
    %mul3A_85 = arith.constant 1024 : i32
    %mul3A_86 = arith.muli %add3A_84, %mul3A_85 : i32
    %broadcast_in_dim3A_87 = arith.constant 0 : i32
    %broadcast_in_dim3A_88 = vector.broadcast %broadcast_in_dim3A_87 : i32 to vector<5x1024xi32>
    %add3A_89 = vector.broadcast %mul3A_86 : i32 to vector<1x1024xi32>
    %add3A_90 = arith.addi %broadcast_in_dim3A_28, %add3A_89 : vector<1x1024xi32>
    %add3A_91 = vector.broadcast %mul3A_86 : i32 to vector<1x1024xi32>
    %add3A_92 = arith.addi %broadcast_in_dim3A_44, %add3A_91 : vector<1x1024xi32>
    %add3A_93 = vector.broadcast %mul3A_86 : i32 to vector<1x1024xi32>
    %add3A_94 = arith.addi %broadcast_in_dim3A_60, %add3A_93 : vector<1x1024xi32>
    %concatenate3A = tpu.concatenate %add3A_90, %add3A_92, %add3A_94, %broadcast_in_dim3A_88 in 0 : vector<1x1024xi32>, vector<1x1024xi32>, vector<1x1024xi32>, vector<5x1024xi32> -> vector<8x1024xi32>
    %swap3A = arith.constant 0 : index
    %swap3A_95 = arith.constant 0 : index
    %swap3A_96 = arith.constant 0 : index
    %swap3A_97 = vector.load %arg4[%swap3A, %swap3A_95, %swap3A_96] : memref<1x8x1024xi32, #tpu.memory_space<vmem>>, vector<1x8x1024xi32>
    %swap3A_98 = vector.shape_cast %swap3A_97 : vector<1x8x1024xi32> to vector<8x1024xi32>
    %swap3A_99 = vector.shape_cast %concatenate3A : vector<8x1024xi32> to vector<1x8x1024xi32>
    tpu.vector_store %arg4[%swap3A, %swap3A_95, %swap3A_96], %swap3A_99 {strides = array<i32>} : memref<1x8x1024xi32, #tpu.memory_space<vmem>>, vector<1x8x1024xi32>,
    %broadcast_in_dim3A_100 = arith.constant 0.000000e+00 : f32
    %broadcast_in_dim3A_101 = vector.broadcast %broadcast_in_dim3A_100 : f32 to vector<5x1024xf32>
    %concatenate3A_102 = tpu.concatenate %div3A_80, %div3A_81, %div3A_82, %broadcast_in_dim3A_101 in 0 : vector<1x1024xf32>, vector<1x1024xf32>, vector<1x1024xf32>, vector<5x1024xf32> -> vector<8x1024xf32>
    %iota3A_103 = tpu.iota {dimensions = array<i32: 0>} : vector<1024x1024xi32>
    %iota3A_104 = tpu.iota {dimensions = array<i32: 1>} : vector<1024x1024xi32>
    %eq3A_105 = arith.cmpi eq, %iota3A_103, %iota3A_104 : vector<1024x1024xi32>
    %convert_element_type3A_106 = arith.extui %eq3A_105 : vector<1024x1024xi1> to vector<1024x1024xi32>
    %convert_element_type3A_107 = arith.sitofp %convert_element_type3A_106 : vector<1024x1024xi32> to vector<1024x1024xf32>
    %dot_general3A_108 = arith.constant dense<0.000000e+00> : vector<1024x8xf32>
    %dot_general3A_109 = tpu.matmul %convert_element_type3A_107, %concatenate3A_102, %dot_general3A_108 {dimension_numbers = #tpu.dot_dimension_numbers<[1], [1], [0], [0], [0, 0, 1, 0], [], []>, precision = #tpu.contract_precision<fp32>, transpose_lhs_hint = false} : vector<1024x1024xf32>, vector<8x1024xf32>, vector<1024x8xf32> -> vector<1024x8xf32>
    %swap3A_110 = arith.constant 0 : index
    %swap3A_111 = arith.constant 0 : index
    %swap3A_112 = vector.load %arg5[%swap3A_110, %swap3A_111] : memref<1024x8xf32, #tpu.memory_space<vmem>>, vector<1024x8xf32>
    tpu.vector_store %arg5[%swap3A_110, %swap3A_111], %dot_general3A_109 {strides = array<i32>} : memref<1024x8xf32, #tpu.memory_space<vmem>>, vector<1024x8xf32>,
    return
  }
  func.func @transform_0(%arg0: i32, %arg1: i32) -> (i32, i32, i32) {
    %c0_i32 = arith.constant 0 : i32
    %c0_i32_0 = arith.constant 0 : i32
    return %arg0, %arg1, %c0_i32 : i32, i32, i32
  }
  func.func @transform_1(%arg0: i32, %arg1: i32) -> (i32, i32, i32) {
    %c0_i32 = arith.constant 0 : i32
    %c0_i32_0 = arith.constant 0 : i32
    %c0_i32_1 = arith.constant 0 : i32
    return %arg0, %c0_i32, %c0_i32_0 : i32, i32, i32
  }
  func.func @transform_2(%arg0: i32, %arg1: i32) -> (i32, i32, i32) {
    %c0_i32 = arith.constant 0 : i32
    %c0_i32_0 = arith.constant 0 : i32
    return %arg0, %c0_i32, %arg1 : i32, i32, i32
  }
  func.func @transform_3(%arg0: i32, %arg1: i32) -> (i32, i32) {
    %mul3A = arith.constant 4 : i32
    %mul3A_0 = arith.muli %arg0, %mul3A : i32
    %add3A = arith.addi %mul3A_0, %arg1 : i32
    %c0_i32 = arith.constant 0 : i32
    %c0_i32_1 = arith.constant 0 : i32
    return %add3A, %c0_i32 : i32, i32
  }
}

module attributes {stable_mosaic.version = 14 : i64} {
  func.func @_stage1_body(%arg0: i32, %arg1: i32, %arg2: memref<1x1024x3xf32, #tpu.memory_space<vmem>>, %arg3: memref<1x1024x3xf32, #tpu.memory_space<vmem>>, %arg4: memref<1x8x1024xi32, #tpu.memory_space<vmem>>, %arg5: memref<1024x8xf32, #tpu.memory_space<vmem>>) attributes {dimension_semantics = [#tpu.dimension_semantics<arbitrary>, #tpu.dimension_semantics<arbitrary>], iteration_bounds = array<i64: 4, 4>, scalar_prefetch = 0 : i64, scratch_operands = 0 : i64, tpu.core_type = #tpu.core_type<tc>, window_params = [{transform_indices = @transform_0, window_bounds = array<i64: 1, 1024, 3>}, {transform_indices = @transform_1, window_bounds = array<i64: 1, 1024, 3>}, {transform_indices = @transform_2, window_bounds = array<i64: 1, 8, 1024>}, {transform_indices = @transform_3, window_bounds = array<i64: 1024, 8>}]} {
    %get3A = arith.constant 0 : index
    %get3A_0 = arith.constant 0 : index
    %get3A_1 = arith.constant 0 : index
    %get3A_2 = vector.load %arg2[%get3A, %get3A_0, %get3A_1] : memref<1x1024x3xf32, #tpu.memory_space<vmem>>, vector<1x1024x3xf32>
    %get3A_3 = vector.shape_cast %get3A_2 : vector<1x1024x3xf32> to vector<1024x3xf32>
    %get3A_4 = arith.constant 0 : index
    %get3A_5 = arith.constant 0 : index
    %get3A_6 = arith.constant 0 : index
    %get3A_7 = vector.load %arg3[%get3A_4, %get3A_5, %get3A_6] : memref<1x1024x3xf32, #tpu.memory_space<vmem>>, vector<1x1024x3xf32>
    %get3A_8 = vector.shape_cast %get3A_7 : vector<1x1024x3xf32> to vector<1024x3xf32>
    %mul3A = arith.mulf %get3A_8, %get3A_8 : vector<1024x3xf32>
    %reduce_sum3A = arith.constant dense<0.000000e+00> : vector<1024xf32>
    %reduce_sum3A_9 = vector.multi_reduction <add>, %mul3A, %reduce_sum3A [1] : vector<1024x3xf32> to vector<1024xf32>
    %broadcast_in_dim3A = vector.shape_cast %reduce_sum3A_9 : vector<1024xf32> to vector<1024x1xf32>
    %convert_element_type3A = arith.truncf %get3A_3 : vector<1024x3xf32> to vector<1024x3xbf16>
    %convert_element_type3A_10 = arith.truncf %get3A_8 : vector<1024x3xf32> to vector<1024x3xbf16>
    %dot_general3A = arith.constant dense<0.000000e+00> : vector<1024x1024xf32>
    %dot_general3A_11 = tpu.matmul %convert_element_type3A_10, %convert_element_type3A, %dot_general3A {dimension_numbers = #tpu.dot_dimension_numbers<[1], [1], [0], [0], [0, 0, 1, 0], [], []>, transpose_lhs_hint = false} : vector<1024x3xbf16>, vector<1024x3xbf16>, vector<1024x1024xf32> -> vector<1024x1024xf32>
    %mul3A_12 = arith.mulf %get3A_3, %get3A_3 : vector<1024x3xf32>
    %broadcast_in_dim3A_13 = arith.constant 1.000000e+00 : f32
    %broadcast_in_dim3A_14 = vector.broadcast %broadcast_in_dim3A_13 : f32 to vector<1x3xf32>
    %dot_general3A_15 = arith.constant dense<0.000000e+00> : vector<1x1024xf32>
    %dot_general3A_16 = tpu.matmul %broadcast_in_dim3A_14, %mul3A_12, %dot_general3A_15 {dimension_numbers = #tpu.dot_dimension_numbers<[1], [1], [0], [0], [0, 0, 1, 0], [], []>, precision = #tpu.contract_precision<fp32>, transpose_lhs_hint = false} : vector<1x3xf32>, vector<1024x3xf32>, vector<1x1024xf32> -> vector<1x1024xf32>
    %add3A = vector.broadcast %dot_general3A_16 : vector<1x1024xf32> to vector<1024x1024xf32>
    %add3A_17 = vector.broadcast %broadcast_in_dim3A : vector<1024x1xf32> to vector<1024x1024xf32>
    %add3A_18 = arith.addf %add3A, %add3A_17 : vector<1024x1024xf32>
    %mul3A_19 = arith.constant 2.000000e+00 : f32
    %mul3A_20 = vector.broadcast %mul3A_19 : f32 to vector<1024x1024xf32>
    %mul3A_21 = arith.mulf %mul3A_20, %dot_general3A_11 : vector<1024x1024xf32>
    %sub3A = arith.subf %add3A_18, %mul3A_21 : vector<1024x1024xf32>
    %iota3A = tpu.iota {dimensions = array<i32: 0>} : vector<1024x1024xi32>
    %reduce_min3A = arith.constant dense<0x7F800000> : vector<1024xf32>
    %reduce_min3A_22 = vector.multi_reduction <minimumf>, %sub3A, %reduce_min3A [0] : vector<1024x1024xf32> to vector<1024xf32>
    %broadcast_in_dim3A_23 = vector.shape_cast %reduce_min3A_22 : vector<1024xf32> to vector<1x1024xf32>
    %eq3A = vector.broadcast %broadcast_in_dim3A_23 : vector<1x1024xf32> to vector<1024x1024xf32>
    %eq3A_24 = arith.cmpf oeq, %sub3A, %eq3A : vector<1024x1024xf32>
    %jit3A = arith.constant 1024 : i32
    %broadcast_in_dim3A_25 = vector.broadcast %jit3A : i32 to vector<1024x1024xi32>
    %select_n3A = arith.select %eq3A_24, %iota3A, %broadcast_in_dim3A_25 : vector<1024x1024xi1>, vector<1024x1024xi32>
    %reduce_min3A_26 = arith.constant dense<2147483647> : vector<1024xi32>
    %reduce_min3A_27 = vector.multi_reduction <minsi>, %select_n3A, %reduce_min3A_26 [0] : vector<1024x1024xi32> to vector<1024xi32>
    %broadcast_in_dim3A_28 = vector.shape_cast %reduce_min3A_27 : vector<1024xi32> to vector<1x1024xi32>
    %eq3A_29 = vector.broadcast %broadcast_in_dim3A_28 : vector<1x1024xi32> to vector<1024x1024xi32>
    %eq3A_30 = arith.cmpi eq, %iota3A, %eq3A_29 : vector<1024x1024xi32>
    %jit3A_31 = arith.constant 0x7F800000 : f32
    %broadcast_in_dim3A_32 = vector.broadcast %jit3A_31 : f32 to vector<1024x1024xf32>
    %select_n3A_33 = arith.select %eq3A_30, %broadcast_in_dim3A_32, %sub3A : vector<1024x1024xi1>, vector<1024x1024xf32>
    %reduce_min3A_34 = arith.constant dense<0x7F800000> : vector<1024xf32>
    %reduce_min3A_35 = vector.multi_reduction <minimumf>, %select_n3A_33, %reduce_min3A_34 [0] : vector<1024x1024xf32> to vector<1024xf32>
    %broadcast_in_dim3A_36 = vector.shape_cast %reduce_min3A_35 : vector<1024xf32> to vector<1x1024xf32>
    %eq3A_37 = vector.broadcast %broadcast_in_dim3A_36 : vector<1x1024xf32> to vector<1024x1024xf32>
    %eq3A_38 = arith.cmpf oeq, %select_n3A_33, %eq3A_37 : vector<1024x1024xf32>
    %jit3A_39 = arith.constant 1024 : i32
    %broadcast_in_dim3A_40 = vector.broadcast %jit3A_39 : i32 to vector<1024x1024xi32>
    %select_n3A_41 = arith.select %eq3A_38, %iota3A, %broadcast_in_dim3A_40 : vector<1024x1024xi1>, vector<1024x1024xi32>
    %reduce_min3A_42 = arith.constant dense<2147483647> : vector<1024xi32>
    %reduce_min3A_43 = vector.multi_reduction <minsi>, %select_n3A_41, %reduce_min3A_42 [0] : vector<1024x1024xi32> to vector<1024xi32>
    %broadcast_in_dim3A_44 = vector.shape_cast %reduce_min3A_43 : vector<1024xi32> to vector<1x1024xi32>
    %eq3A_45 = vector.broadcast %broadcast_in_dim3A_44 : vector<1x1024xi32> to vector<1024x1024xi32>
    %eq3A_46 = arith.cmpi eq, %iota3A, %eq3A_45 : vector<1024x1024xi32>
    %jit3A_47 = arith.constant 0x7F800000 : f32
    %broadcast_in_dim3A_48 = vector.broadcast %jit3A_47 : f32 to vector<1024x1024xf32>
    %select_n3A_49 = arith.select %eq3A_46, %broadcast_in_dim3A_48, %select_n3A_33 : vector<1024x1024xi1>, vector<1024x1024xf32>
    %reduce_min3A_50 = arith.constant dense<0x7F800000> : vector<1024xf32>
    %reduce_min3A_51 = vector.multi_reduction <minimumf>, %select_n3A_49, %reduce_min3A_50 [0] : vector<1024x1024xf32> to vector<1024xf32>
    %broadcast_in_dim3A_52 = vector.shape_cast %reduce_min3A_51 : vector<1024xf32> to vector<1x1024xf32>
    %eq3A_53 = vector.broadcast %broadcast_in_dim3A_52 : vector<1x1024xf32> to vector<1024x1024xf32>
    %eq3A_54 = arith.cmpf oeq, %select_n3A_49, %eq3A_53 : vector<1024x1024xf32>
    %jit3A_55 = arith.constant 1024 : i32
    %broadcast_in_dim3A_56 = vector.broadcast %jit3A_55 : i32 to vector<1024x1024xi32>
    %select_n3A_57 = arith.select %eq3A_54, %iota3A, %broadcast_in_dim3A_56 : vector<1024x1024xi1>, vector<1024x1024xi32>
    %reduce_min3A_58 = arith.constant dense<2147483647> : vector<1024xi32>
    %reduce_min3A_59 = vector.multi_reduction <minsi>, %select_n3A_57, %reduce_min3A_58 [0] : vector<1024x1024xi32> to vector<1024xi32>
    %broadcast_in_dim3A_60 = vector.shape_cast %reduce_min3A_59 : vector<1024xi32> to vector<1x1024xi32>
    %add3A_61 = arith.constant 9.99999993E-9 : f32
    %add3A_62 = vector.broadcast %add3A_61 : f32 to vector<1x1024xf32>
    %add3A_63 = arith.addf %broadcast_in_dim3A_23, %add3A_62 : vector<1x1024xf32>
    %div3A = arith.constant 1.000000e+00 : f32
    %div3A_64 = vector.broadcast %div3A : f32 to vector<1x1024xf32>
    %div3A_65 = arith.divf %div3A_64, %add3A_63 : vector<1x1024xf32>
    %add3A_66 = arith.constant 9.99999993E-9 : f32
    %add3A_67 = vector.broadcast %add3A_66 : f32 to vector<1x1024xf32>
    %add3A_68 = arith.addf %broadcast_in_dim3A_36, %add3A_67 : vector<1x1024xf32>
    %div3A_69 = arith.constant 1.000000e+00 : f32
    %div3A_70 = vector.broadcast %div3A_69 : f32 to vector<1x1024xf32>
    %div3A_71 = arith.divf %div3A_70, %add3A_68 : vector<1x1024xf32>
    %add3A_72 = arith.constant 9.99999993E-9 : f32
    %add3A_73 = vector.broadcast %add3A_72 : f32 to vector<1x1024xf32>
    %add3A_74 = arith.addf %broadcast_in_dim3A_52, %add3A_73 : vector<1x1024xf32>
    %div3A_75 = arith.constant 1.000000e+00 : f32
    %div3A_76 = vector.broadcast %div3A_75 : f32 to vector<1x1024xf32>
    %div3A_77 = arith.divf %div3A_76, %add3A_74 : vector<1x1024xf32>
    %add3A_78 = arith.addf %div3A_65, %div3A_71 : vector<1x1024xf32>
    %add3A_79 = arith.addf %add3A_78, %div3A_77 : vector<1x1024xf32>
    %div3A_80 = arith.divf %div3A_65, %add3A_79 : vector<1x1024xf32>
    %div3A_81 = arith.divf %div3A_71, %add3A_79 : vector<1x1024xf32>
    %div3A_82 = arith.divf %div3A_77, %add3A_79 : vector<1x1024xf32>
    %add3A_83 = arith.constant 4 : i32
    %add3A_84 = arith.addi %arg0, %add3A_83 : i32
    %mul3A_85 = arith.constant 1024 : i32
    %mul3A_86 = arith.muli %add3A_84, %mul3A_85 : i32
    %broadcast_in_dim3A_87 = arith.constant 0 : i32
    %broadcast_in_dim3A_88 = vector.broadcast %broadcast_in_dim3A_87 : i32 to vector<5x1024xi32>
    %add3A_89 = vector.broadcast %mul3A_86 : i32 to vector<1x1024xi32>
    %add3A_90 = arith.addi %broadcast_in_dim3A_28, %add3A_89 : vector<1x1024xi32>
    %add3A_91 = vector.broadcast %mul3A_86 : i32 to vector<1x1024xi32>
    %add3A_92 = arith.addi %broadcast_in_dim3A_44, %add3A_91 : vector<1x1024xi32>
    %add3A_93 = vector.broadcast %mul3A_86 : i32 to vector<1x1024xi32>
    %add3A_94 = arith.addi %broadcast_in_dim3A_60, %add3A_93 : vector<1x1024xi32>
    %concatenate3A = tpu.concatenate %add3A_90, %add3A_92, %add3A_94, %broadcast_in_dim3A_88 in 0 : vector<1x1024xi32>, vector<1x1024xi32>, vector<1x1024xi32>, vector<5x1024xi32> -> vector<8x1024xi32>
    %swap3A = arith.constant 0 : index
    %swap3A_95 = arith.constant 0 : index
    %swap3A_96 = arith.constant 0 : index
    %swap3A_97 = vector.load %arg4[%swap3A, %swap3A_95, %swap3A_96] : memref<1x8x1024xi32, #tpu.memory_space<vmem>>, vector<1x8x1024xi32>
    %swap3A_98 = vector.shape_cast %swap3A_97 : vector<1x8x1024xi32> to vector<8x1024xi32>
    %swap3A_99 = vector.shape_cast %concatenate3A : vector<8x1024xi32> to vector<1x8x1024xi32>
    tpu.vector_store %arg4[%swap3A, %swap3A_95, %swap3A_96], %swap3A_99 {strides = array<i32>} : memref<1x8x1024xi32, #tpu.memory_space<vmem>>, vector<1x8x1024xi32>,
    %broadcast_in_dim3A_100 = arith.constant 0.000000e+00 : f32
    %broadcast_in_dim3A_101 = vector.broadcast %broadcast_in_dim3A_100 : f32 to vector<5x1024xf32>
    %concatenate3A_102 = tpu.concatenate %div3A_80, %div3A_81, %div3A_82, %broadcast_in_dim3A_101 in 0 : vector<1x1024xf32>, vector<1x1024xf32>, vector<1x1024xf32>, vector<5x1024xf32> -> vector<8x1024xf32>
    %iota3A_103 = tpu.iota {dimensions = array<i32: 0>} : vector<1024x1024xi32>
    %iota3A_104 = tpu.iota {dimensions = array<i32: 1>} : vector<1024x1024xi32>
    %eq3A_105 = arith.cmpi eq, %iota3A_103, %iota3A_104 : vector<1024x1024xi32>
    %convert_element_type3A_106 = arith.extui %eq3A_105 : vector<1024x1024xi1> to vector<1024x1024xi32>
    %convert_element_type3A_107 = arith.sitofp %convert_element_type3A_106 : vector<1024x1024xi32> to vector<1024x1024xf32>
    %dot_general3A_108 = arith.constant dense<0.000000e+00> : vector<1024x8xf32>
    %dot_general3A_109 = tpu.matmul %convert_element_type3A_107, %concatenate3A_102, %dot_general3A_108 {dimension_numbers = #tpu.dot_dimension_numbers<[1], [1], [0], [0], [0, 0, 1, 0], [], []>, precision = #tpu.contract_precision<fp32>, transpose_lhs_hint = false} : vector<1024x1024xf32>, vector<8x1024xf32>, vector<1024x8xf32> -> vector<1024x8xf32>
    %swap3A_110 = arith.constant 0 : index
    %swap3A_111 = arith.constant 0 : index
    %swap3A_112 = vector.load %arg5[%swap3A_110, %swap3A_111] : memref<1024x8xf32, #tpu.memory_space<vmem>>, vector<1024x8xf32>
    tpu.vector_store %arg5[%swap3A_110, %swap3A_111], %dot_general3A_109 {strides = array<i32>} : memref<1024x8xf32, #tpu.memory_space<vmem>>, vector<1024x8xf32>,
    return
  }
  func.func @transform_0(%arg0: i32, %arg1: i32) -> (i32, i32, i32) {
    %c0_i32 = arith.constant 0 : i32
    %c0_i32_0 = arith.constant 0 : i32
    return %arg0, %arg1, %c0_i32 : i32, i32, i32
  }
  func.func @transform_1(%arg0: i32, %arg1: i32) -> (i32, i32, i32) {
    %c0_i32 = arith.constant 0 : i32
    %c0_i32_0 = arith.constant 0 : i32
    %c0_i32_1 = arith.constant 0 : i32
    return %arg0, %c0_i32, %c0_i32_0 : i32, i32, i32
  }
  func.func @transform_2(%arg0: i32, %arg1: i32) -> (i32, i32, i32) {
    %c0_i32 = arith.constant 0 : i32
    %c0_i32_0 = arith.constant 0 : i32
    return %arg0, %c0_i32, %arg1 : i32, i32, i32
  }
  func.func @transform_3(%arg0: i32, %arg1: i32) -> (i32, i32) {
    %mul3A = arith.constant 4 : i32
    %mul3A_0 = arith.muli %arg0, %mul3A : i32
    %add3A = arith.addi %mul3A_0, %arg1 : i32
    %c0_i32 = arith.constant 0 : i32
    %c0_i32_1 = arith.constant 0 : i32
    return %add3A, %c0_i32 : i32, i32
  }
}

module attributes {stable_mosaic.version = 14 : i64} {
  func.func @_stage1b_body(%arg0: i32, %arg1: i32, %arg2: memref<3x1024x256xf32, #tpu.memory_space<vmem>>, %arg3: memref<1024x8xf32, #tpu.memory_space<vmem>>, %arg4: memref<1x128x1024xf32, #tpu.memory_space<vmem>>, %arg5: memref<256x384xf32, #tpu.memory_space<vmem>>, %arg6: memref<1x256x1024xf32, #tpu.memory_space<vmem>>, %arg7: memref<256x1xf32, #tpu.memory_space<vmem>>, %arg8: memref<256x1xf32, #tpu.memory_space<vmem>>) attributes {dimension_semantics = [#tpu.dimension_semantics<arbitrary>, #tpu.dimension_semantics<arbitrary>], iteration_bounds = array<i64: 4, 4>, scalar_prefetch = 0 : i64, scratch_operands = 0 : i64, tpu.core_type = #tpu.core_type<tc>, window_params = [{transform_indices = @transform_0, window_bounds = array<i64: 3, 1024, 256>}, {transform_indices = @transform_1, window_bounds = array<i64: 1024, 8>}, {transform_indices = @transform_2, window_bounds = array<i64: 1, 128, 1024>}, {pipeline_mode = #tpu.pipeline_mode<synchronous>, transform_indices = @transform_3, window_bounds = array<i64: 256, 384>}, {transform_indices = @transform_4, window_bounds = array<i64: 1, 256, 1024>}, {pipeline_mode = #tpu.pipeline_mode<synchronous>, transform_indices = @transform_5, window_bounds = array<i64: 256, 1>}, {pipeline_mode = #tpu.pipeline_mode<synchronous>, transform_indices = @transform_6, window_bounds = array<i64: 256, 1>}]} {
    %get3A = arith.constant 0 : index
    %get3A_0 = arith.constant 0 : index
    %get3A_1 = vector.load %arg5[%get3A, %get3A_0] : memref<256x384xf32, #tpu.memory_space<vmem>>, vector<256x256xf32>
    %convert_element_type3A = arith.truncf %get3A_1 : vector<256x256xf32> to vector<256x256xbf16>
    %get3A_2 = arith.constant 0 : index
    %get3A_3 = arith.constant 256 : index
    %get3A_4 = vector.load %arg5[%get3A_2, %get3A_3] : memref<256x384xf32, #tpu.memory_space<vmem>>, vector<256x128xf32>
    %convert_element_type3A_5 = arith.truncf %get3A_4 : vector<256x128xf32> to vector<256x128xbf16>
    %get3A_6 = arith.constant 0 : index
    %get3A_7 = arith.constant 0 : index
    %get3A_8 = arith.constant 0 : index
    %get3A_9 = vector.load %arg4[%get3A_6, %get3A_7, %get3A_8] : memref<1x128x1024xf32, #tpu.memory_space<vmem>>, vector<1x128x1024xf32>
    %get3A_10 = vector.shape_cast %get3A_9 : vector<1x128x1024xf32> to vector<128x1024xf32>
    %convert_element_type3A_11 = arith.truncf %get3A_10 : vector<128x1024xf32> to vector<128x1024xbf16>
    %get3A_12 = arith.constant 0 : index
    %get3A_13 = arith.constant 0 : index
    %get3A_14 = vector.load %arg3[%get3A_12, %get3A_13] : memref<1024x8xf32, #tpu.memory_space<vmem>>, vector<1024x1xf32>
    %get3A_15 = arith.constant 0 : index
    %get3A_16 = arith.constant 0 : index
    %get3A_17 = arith.constant 0 : index
    %get3A_18 = vector.load %arg2[%get3A_15, %get3A_16, %get3A_17] : memref<3x1024x256xf32, #tpu.memory_space<vmem>>, vector<1x1024x256xf32>
    %get3A_19 = vector.shape_cast %get3A_18 : vector<1x1024x256xf32> to vector<1024x256xf32>
    %mul3A = vector.broadcast %get3A_14 : vector<1024x1xf32> to vector<1024x256xf32>
    %mul3A_20 = arith.mulf %mul3A, %get3A_19 : vector<1024x256xf32>
    %get3A_21 = arith.constant 0 : index
    %get3A_22 = arith.constant 1 : index
    %get3A_23 = vector.load %arg3[%get3A_21, %get3A_22] : memref<1024x8xf32, #tpu.memory_space<vmem>>, vector<1024x1xf32>
    %get3A_24 = arith.constant 1 : index
    %get3A_25 = arith.constant 0 : index
    %get3A_26 = arith.constant 0 : index
    %get3A_27 = vector.load %arg2[%get3A_24, %get3A_25, %get3A_26] : memref<3x1024x256xf32, #tpu.memory_space<vmem>>, vector<1x1024x256xf32>
    %get3A_28 = vector.shape_cast %get3A_27 : vector<1x1024x256xf32> to vector<1024x256xf32>
    %mul3A_29 = vector.broadcast %get3A_23 : vector<1024x1xf32> to vector<1024x256xf32>
    %mul3A_30 = arith.mulf %mul3A_29, %get3A_28 : vector<1024x256xf32>
    %add3A = arith.addf %mul3A_20, %mul3A_30 : vector<1024x256xf32>
    %get3A_31 = arith.constant 0 : index
    %get3A_32 = arith.constant 2 : index
    %get3A_33 = vector.load %arg3[%get3A_31, %get3A_32] : memref<1024x8xf32, #tpu.memory_space<vmem>>, vector<1024x1xf32>
    %get3A_34 = arith.constant 2 : index
    %get3A_35 = arith.constant 0 : index
    %get3A_36 = arith.constant 0 : index
    %get3A_37 = vector.load %arg2[%get3A_34, %get3A_35, %get3A_36] : memref<3x1024x256xf32, #tpu.memory_space<vmem>>, vector<1x1024x256xf32>
    %get3A_38 = vector.shape_cast %get3A_37 : vector<1x1024x256xf32> to vector<1024x256xf32>
    %mul3A_39 = vector.broadcast %get3A_33 : vector<1024x1xf32> to vector<1024x256xf32>
    %mul3A_40 = arith.mulf %mul3A_39, %get3A_38 : vector<1024x256xf32>
    %add3A_41 = arith.addf %add3A, %mul3A_40 : vector<1024x256xf32>
    %convert_element_type3A_42 = arith.truncf %add3A_41 : vector<1024x256xf32> to vector<1024x256xbf16>
    %dot_general3A = arith.constant dense<0.000000e+00> : vector<256x1024xf32>
    %dot_general3A_43 = tpu.matmul %convert_element_type3A, %convert_element_type3A_42, %dot_general3A {dimension_numbers = #tpu.dot_dimension_numbers<[1], [1], [0], [0], [0, 0, 1, 0], [], []>, transpose_lhs_hint = false} : vector<256x256xbf16>, vector<1024x256xbf16>, vector<256x1024xf32> -> vector<256x1024xf32>
    %dot_general3A_44 = arith.constant dense<0.000000e+00> : vector<256x1024xf32>
    %dot_general3A_45 = tpu.matmul %convert_element_type3A_5, %convert_element_type3A_11, %dot_general3A_44 {dimension_numbers = #tpu.dot_dimension_numbers<[1], [0], [0], [1], [0, 0, 1, 1], [], []>, transpose_lhs_hint = false} : vector<256x128xbf16>, vector<128x1024xbf16>, vector<256x1024xf32> -> vector<256x1024xf32>
    %add3A_46 = arith.addf %dot_general3A_43, %dot_general3A_45 : vector<256x1024xf32>
    %swap3A = arith.constant 0 : index
    %swap3A_47 = arith.constant 0 : index
    %swap3A_48 = arith.constant 0 : index
    %swap3A_49 = vector.load %arg6[%swap3A, %swap3A_47, %swap3A_48] : memref<1x256x1024xf32, #tpu.memory_space<vmem>>, vector<1x256x1024xf32>
    %swap3A_50 = vector.shape_cast %swap3A_49 : vector<1x256x1024xf32> to vector<256x1024xf32>
    %swap3A_51 = vector.shape_cast %add3A_46 : vector<256x1024xf32> to vector<1x256x1024xf32>
    tpu.vector_store %arg6[%swap3A, %swap3A_47, %swap3A_48], %swap3A_51 {strides = array<i32>} : memref<1x256x1024xf32, #tpu.memory_space<vmem>>, vector<1x256x1024xf32>,
    %reduce_sum3A = arith.constant dense<0.000000e+00> : vector<256xf32>
    %reduce_sum3A_52 = vector.multi_reduction <add>, %add3A_46, %reduce_sum3A [1] : vector<256x1024xf32> to vector<256xf32>
    %broadcast_in_dim3A = vector.shape_cast %reduce_sum3A_52 : vector<256xf32> to vector<256x1xf32>
    %mul3A_53 = arith.mulf %add3A_46, %add3A_46 : vector<256x1024xf32>
    %reduce_sum3A_54 = arith.constant dense<0.000000e+00> : vector<256xf32>
    %reduce_sum3A_55 = vector.multi_reduction <add>, %mul3A_53, %reduce_sum3A_54 [1] : vector<256x1024xf32> to vector<256xf32>
    %broadcast_in_dim3A_56 = vector.shape_cast %reduce_sum3A_55 : vector<256xf32> to vector<256x1xf32>
    %eq3A = arith.constant 0 : i32
    %eq3A_57 = arith.cmpi eq, %arg0, %eq3A : i32
    %eq3A_58 = arith.constant 0 : i32
    %eq3A_59 = arith.cmpi eq, %arg1, %eq3A_58 : i32
    %and3A = arith.andi %eq3A_57, %eq3A_59 : i1
    %convert_element_type3A_60 = arith.extui %and3A : i1 to i32
    %cond3A = arith.constant 0 : i32
    %cond3A_61 = arith.cmpi ne, %convert_element_type3A_60, %cond3A : i32
    scf.if %cond3A_61 {
      %swap3A_68 = arith.constant 0 : index
      %swap3A_69 = arith.constant 0 : index
      %swap3A_70 = vector.load %arg7[%swap3A_68, %swap3A_69] : memref<256x1xf32, #tpu.memory_space<vmem>>, vector<256x1xf32>
      tpu.vector_store %arg7[%swap3A_68, %swap3A_69], %broadcast_in_dim3A {strides = array<i32>} : memref<256x1xf32, #tpu.memory_space<vmem>>, vector<256x1xf32>,
      %swap3A_71 = arith.constant 0 : index
      %swap3A_72 = arith.constant 0 : index
      %swap3A_73 = vector.load %arg8[%swap3A_71, %swap3A_72] : memref<256x1xf32, #tpu.memory_space<vmem>>, vector<256x1xf32>
      tpu.vector_store %arg8[%swap3A_71, %swap3A_72], %broadcast_in_dim3A_56 {strides = array<i32>} : memref<256x1xf32, #tpu.memory_space<vmem>>, vector<256x1xf32>,
    } else {
    }
    %ne3A = arith.constant 0 : i32
    %ne3A_62 = arith.cmpi ne, %arg0, %ne3A : i32
    %ne3A_63 = arith.constant 0 : i32
    %ne3A_64 = arith.cmpi ne, %arg1, %ne3A_63 : i32
    %or3A = arith.ori %ne3A_62, %ne3A_64 : i1
    %convert_element_type3A_65 = arith.extui %or3A : i1 to i32
    %cond3A_66 = arith.constant 0 : i32
    %cond3A_67 = arith.cmpi ne, %convert_element_type3A_65, %cond3A_66 : i32
    scf.if %cond3A_67 {
      %get3A_68 = arith.constant 0 : index
      %get3A_69 = arith.constant 0 : index
      %get3A_70 = vector.load %arg7[%get3A_68, %get3A_69] : memref<256x1xf32, #tpu.memory_space<vmem>>, vector<256x1xf32>
      %add3A_71 = arith.addf %get3A_70, %broadcast_in_dim3A : vector<256x1xf32>
      %swap3A_72 = arith.constant 0 : index
      %swap3A_73 = arith.constant 0 : index
      %swap3A_74 = vector.load %arg7[%swap3A_72, %swap3A_73] : memref<256x1xf32, #tpu.memory_space<vmem>>, vector<256x1xf32>
      tpu.vector_store %arg7[%swap3A_72, %swap3A_73], %add3A_71 {strides = array<i32>} : memref<256x1xf32, #tpu.memory_space<vmem>>, vector<256x1xf32>,
      %get3A_75 = arith.constant 0 : index
      %get3A_76 = arith.constant 0 : index
      %get3A_77 = vector.load %arg8[%get3A_75, %get3A_76] : memref<256x1xf32, #tpu.memory_space<vmem>>, vector<256x1xf32>
      %add3A_78 = arith.addf %get3A_77, %broadcast_in_dim3A_56 : vector<256x1xf32>
      %swap3A_79 = arith.constant 0 : index
      %swap3A_80 = arith.constant 0 : index
      %swap3A_81 = vector.load %arg8[%swap3A_79, %swap3A_80] : memref<256x1xf32, #tpu.memory_space<vmem>>, vector<256x1xf32>
      tpu.vector_store %arg8[%swap3A_79, %swap3A_80], %add3A_78 {strides = array<i32>} : memref<256x1xf32, #tpu.memory_space<vmem>>, vector<256x1xf32>,
    } else {
    }
    return
  }
  func.func @transform_0(%arg0: i32, %arg1: i32) -> (i32, i32, i32) {
    %mul3A = arith.constant 4 : i32
    %mul3A_0 = arith.muli %arg0, %mul3A : i32
    %add3A = arith.addi %mul3A_0, %arg1 : i32
    %c0_i32 = arith.constant 0 : i32
    %c0_i32_1 = arith.constant 0 : i32
    %c0_i32_2 = arith.constant 0 : i32
    return %c0_i32, %add3A, %c0_i32_1 : i32, i32, i32
  }
  func.func @transform_1(%arg0: i32, %arg1: i32) -> (i32, i32) {
    %mul3A = arith.constant 4 : i32
    %mul3A_0 = arith.muli %arg0, %mul3A : i32
    %add3A = arith.addi %mul3A_0, %arg1 : i32
    %c0_i32 = arith.constant 0 : i32
    %c0_i32_1 = arith.constant 0 : i32
    return %add3A, %c0_i32 : i32, i32
  }
  func.func @transform_2(%arg0: i32, %arg1: i32) -> (i32, i32, i32) {
    %c0_i32 = arith.constant 0 : i32
    %c0_i32_0 = arith.constant 0 : i32
    return %arg0, %c0_i32, %arg1 : i32, i32, i32
  }
  func.func @transform_3(%arg0: i32, %arg1: i32) -> (i32, i32) {
    %c0_i32 = arith.constant 0 : i32
    %c0_i32_0 = arith.constant 0 : i32
    %c0_i32_1 = arith.constant 0 : i32
    return %c0_i32, %c0_i32_0 : i32, i32
  }
  func.func @transform_4(%arg0: i32, %arg1: i32) -> (i32, i32, i32) {
    %c0_i32 = arith.constant 0 : i32
    %c0_i32_0 = arith.constant 0 : i32
    return %arg0, %c0_i32, %arg1 : i32, i32, i32
  }
  func.func @transform_5(%arg0: i32, %arg1: i32) -> (i32, i32) {
    %c0_i32 = arith.constant 0 : i32
    %c0_i32_0 = arith.constant 0 : i32
    %c0_i32_1 = arith.constant 0 : i32
    return %c0_i32, %c0_i32_0 : i32, i32
  }
  func.func @transform_6(%arg0: i32, %arg1: i32) -> (i32, i32) {
    %c0_i32 = arith.constant 0 : i32
    %c0_i32_0 = arith.constant 0 : i32
    %c0_i32_1 = arith.constant 0 : i32
    return %c0_i32, %c0_i32_0 : i32, i32
  }
}

module attributes {stable_mosaic.version = 14 : i64} {
  func.func @_stage2_body(%arg0: i32, %arg1: i32, %arg2: memref<1x256x1024xf32, #tpu.memory_space<vmem>>, %arg3: memref<256x1xf32, #tpu.memory_space<vmem>>, %arg4: memref<256x1xf32, #tpu.memory_space<vmem>>, %arg5: memref<256x1xf32, #tpu.memory_space<vmem>>, %arg6: memref<256x1xf32, #tpu.memory_space<vmem>>, %arg7: memref<256x1xf32, #tpu.memory_space<vmem>>, %arg8: memref<256x1xf32, #tpu.memory_space<vmem>>, %arg9: memref<256x256xf32, #tpu.memory_space<vmem>>, %arg10: memref<1x256x1024xf32, #tpu.memory_space<vmem>>, %arg11: memref<256x1xf32, #tpu.memory_space<vmem>>, %arg12: memref<256x1xf32, #tpu.memory_space<vmem>>) attributes {dimension_semantics = [#tpu.dimension_semantics<arbitrary>, #tpu.dimension_semantics<arbitrary>], iteration_bounds = array<i64: 4, 4>, scalar_prefetch = 0 : i64, scratch_operands = 0 : i64, tpu.core_type = #tpu.core_type<tc>, window_params = [{transform_indices = @transform_0, window_bounds = array<i64: 1, 256, 1024>}, {pipeline_mode = #tpu.pipeline_mode<synchronous>, transform_indices = @transform_1, window_bounds = array<i64: 256, 1>}, {pipeline_mode = #tpu.pipeline_mode<synchronous>, transform_indices = @transform_2, window_bounds = array<i64: 256, 1>}, {pipeline_mode = #tpu.pipeline_mode<synchronous>, transform_indices = @transform_3, window_bounds = array<i64: 256, 1>}, {pipeline_mode = #tpu.pipeline_mode<synchronous>, transform_indices = @transform_4, window_bounds = array<i64: 256, 1>}, {pipeline_mode = #tpu.pipeline_mode<synchronous>, transform_indices = @transform_5, window_bounds = array<i64: 256, 1>}, {pipeline_mode = #tpu.pipeline_mode<synchronous>, transform_indices = @transform_6, window_bounds = array<i64: 256, 1>}, {pipeline_mode = #tpu.pipeline_mode<synchronous>, transform_indices = @transform_7, window_bounds = array<i64: 256, 256>}, {transform_indices = @transform_8, window_bounds = array<i64: 1, 256, 1024>}, {pipeline_mode = #tpu.pipeline_mode<synchronous>, transform_indices = @transform_9, window_bounds = array<i64: 256, 1>}, {pipeline_mode = #tpu.pipeline_mode<synchronous>, transform_indices = @transform_10, window_bounds = array<i64: 256, 1>}]} {
    %get3A = arith.constant 0 : index
    %get3A_0 = arith.constant 0 : index
    %get3A_1 = vector.load %arg3[%get3A, %get3A_0] : memref<256x1xf32, #tpu.memory_space<vmem>>, vector<256x1xf32>
    %get3A_2 = arith.constant 0 : index
    %get3A_3 = arith.constant 0 : index
    %get3A_4 = vector.load %arg4[%get3A_2, %get3A_3] : memref<256x1xf32, #tpu.memory_space<vmem>>, vector<256x1xf32>
    %add3A = arith.addf %get3A_1, %get3A_4 : vector<256x1xf32>
    %mul3A = arith.constant 3.05175781E-5 : f32
    %mul3A_5 = vector.broadcast %mul3A : f32 to vector<256x1xf32>
    %mul3A_6 = arith.mulf %add3A, %mul3A_5 : vector<256x1xf32>
    %get3A_7 = arith.constant 0 : index
    %get3A_8 = arith.constant 0 : index
    %get3A_9 = vector.load %arg5[%get3A_7, %get3A_8] : memref<256x1xf32, #tpu.memory_space<vmem>>, vector<256x1xf32>
    %get3A_10 = arith.constant 0 : index
    %get3A_11 = arith.constant 0 : index
    %get3A_12 = vector.load %arg6[%get3A_10, %get3A_11] : memref<256x1xf32, #tpu.memory_space<vmem>>, vector<256x1xf32>
    %add3A_13 = arith.addf %get3A_9, %get3A_12 : vector<256x1xf32>
    %mul3A_14 = arith.constant 3.05175781E-5 : f32
    %mul3A_15 = vector.broadcast %mul3A_14 : f32 to vector<256x1xf32>
    %mul3A_16 = arith.mulf %add3A_13, %mul3A_15 : vector<256x1xf32>
    %mul3A_17 = arith.mulf %mul3A_6, %mul3A_6 : vector<256x1xf32>
    %sub3A = arith.subf %mul3A_16, %mul3A_17 : vector<256x1xf32>
    %get3A_18 = arith.constant 0 : index
    %get3A_19 = arith.constant 0 : index
    %get3A_20 = vector.load %arg7[%get3A_18, %get3A_19] : memref<256x1xf32, #tpu.memory_space<vmem>>, vector<256x1xf32>
    %add3A_21 = arith.constant 9.99999974E-6 : f32
    %add3A_22 = vector.broadcast %add3A_21 : f32 to vector<256x1xf32>
    %add3A_23 = arith.addf %sub3A, %add3A_22 : vector<256x1xf32>
    %rsqrt3A = math.rsqrt %add3A_23 : vector<256x1xf32>
    %mul3A_24 = arith.mulf %get3A_20, %rsqrt3A : vector<256x1xf32>
    %get3A_25 = arith.constant 0 : index
    %get3A_26 = arith.constant 0 : index
    %get3A_27 = vector.load %arg8[%get3A_25, %get3A_26] : memref<256x1xf32, #tpu.memory_space<vmem>>, vector<256x1xf32>
    %mul3A_28 = arith.mulf %mul3A_6, %mul3A_24 : vector<256x1xf32>
    %sub3A_29 = arith.subf %get3A_27, %mul3A_28 : vector<256x1xf32>
    %get3A_30 = arith.constant 0 : index
    %get3A_31 = arith.constant 0 : index
    %get3A_32 = arith.constant 0 : index
    %get3A_33 = vector.load %arg2[%get3A_30, %get3A_31, %get3A_32] : memref<1x256x1024xf32, #tpu.memory_space<vmem>>, vector<1x256x1024xf32>
    %get3A_34 = vector.shape_cast %get3A_33 : vector<1x256x1024xf32> to vector<256x1024xf32>
    %mul3A_35 = vector.broadcast %mul3A_24 : vector<256x1xf32> to vector<256x1024xf32>
    %mul3A_36 = arith.mulf %get3A_34, %mul3A_35 : vector<256x1024xf32>
    %add3A_37 = vector.broadcast %sub3A_29 : vector<256x1xf32> to vector<256x1024xf32>
    %add3A_38 = arith.addf %mul3A_36, %add3A_37 : vector<256x1024xf32>
    %max3A = arith.constant 0.000000e+00 : f32
    %max3A_39 = vector.broadcast %max3A : f32 to vector<256x1024xf32>
    %max3A_40 = arith.maximumf %add3A_38, %max3A_39 : vector<256x1024xf32>
    %get3A_41 = arith.constant 0 : index
    %get3A_42 = arith.constant 0 : index
    %get3A_43 = vector.load %arg9[%get3A_41, %get3A_42] : memref<256x256xf32, #tpu.memory_space<vmem>>, vector<256x256xf32>
    %convert_element_type3A = arith.truncf %get3A_43 : vector<256x256xf32> to vector<256x256xbf16>
    %convert_element_type3A_44 = arith.truncf %max3A_40 : vector<256x1024xf32> to vector<256x1024xbf16>
    %dot_general3A = arith.constant dense<0.000000e+00> : vector<256x1024xf32>
    %dot_general3A_45 = tpu.matmul %convert_element_type3A, %convert_element_type3A_44, %dot_general3A {dimension_numbers = #tpu.dot_dimension_numbers<[1], [0], [0], [1], [0, 0, 1, 1], [], []>, transpose_lhs_hint = false} : vector<256x256xbf16>, vector<256x1024xbf16>, vector<256x1024xf32> -> vector<256x1024xf32>
    %swap3A = arith.constant 0 : index
    %swap3A_46 = arith.constant 0 : index
    %swap3A_47 = arith.constant 0 : index
    %swap3A_48 = vector.load %arg10[%swap3A, %swap3A_46, %swap3A_47] : memref<1x256x1024xf32, #tpu.memory_space<vmem>>, vector<1x256x1024xf32>
    %swap3A_49 = vector.shape_cast %swap3A_48 : vector<1x256x1024xf32> to vector<256x1024xf32>
    %swap3A_50 = vector.shape_cast %dot_general3A_45 : vector<256x1024xf32> to vector<1x256x1024xf32>
    tpu.vector_store %arg10[%swap3A, %swap3A_46, %swap3A_47], %swap3A_50 {strides = array<i32>} : memref<1x256x1024xf32, #tpu.memory_space<vmem>>, vector<1x256x1024xf32>,
    %reduce_sum3A = arith.constant dense<0.000000e+00> : vector<256xf32>
    %reduce_sum3A_51 = vector.multi_reduction <add>, %dot_general3A_45, %reduce_sum3A [1] : vector<256x1024xf32> to vector<256xf32>
    %broadcast_in_dim3A = vector.shape_cast %reduce_sum3A_51 : vector<256xf32> to vector<256x1xf32>
    %mul3A_52 = arith.mulf %dot_general3A_45, %dot_general3A_45 : vector<256x1024xf32>
    %reduce_sum3A_53 = arith.constant dense<0.000000e+00> : vector<256xf32>
    %reduce_sum3A_54 = vector.multi_reduction <add>, %mul3A_52, %reduce_sum3A_53 [1] : vector<256x1024xf32> to vector<256xf32>
    %broadcast_in_dim3A_55 = vector.shape_cast %reduce_sum3A_54 : vector<256xf32> to vector<256x1xf32>
    %eq3A = arith.constant 0 : i32
    %eq3A_56 = arith.cmpi eq, %arg0, %eq3A : i32
    %eq3A_57 = arith.constant 0 : i32
    %eq3A_58 = arith.cmpi eq, %arg1, %eq3A_57 : i32
    %and3A = arith.andi %eq3A_56, %eq3A_58 : i1
    %convert_element_type3A_59 = arith.extui %and3A : i1 to i32
    %cond3A = arith.constant 0 : i32
    %cond3A_60 = arith.cmpi ne, %convert_element_type3A_59, %cond3A : i32
    scf.if %cond3A_60 {
      %swap3A_67 = arith.constant 0 : index
      %swap3A_68 = arith.constant 0 : index
      %swap3A_69 = vector.load %arg11[%swap3A_67, %swap3A_68] : memref<256x1xf32, #tpu.memory_space<vmem>>, vector<256x1xf32>
      tpu.vector_store %arg11[%swap3A_67, %swap3A_68], %broadcast_in_dim3A {strides = array<i32>} : memref<256x1xf32, #tpu.memory_space<vmem>>, vector<256x1xf32>,
      %swap3A_70 = arith.constant 0 : index
      %swap3A_71 = arith.constant 0 : index
      %swap3A_72 = vector.load %arg12[%swap3A_70, %swap3A_71] : memref<256x1xf32, #tpu.memory_space<vmem>>, vector<256x1xf32>
      tpu.vector_store %arg12[%swap3A_70, %swap3A_71], %broadcast_in_dim3A_55 {strides = array<i32>} : memref<256x1xf32, #tpu.memory_space<vmem>>, vector<256x1xf32>,
    } else {
    }
    %ne3A = arith.constant 0 : i32
    %ne3A_61 = arith.cmpi ne, %arg0, %ne3A : i32
    %ne3A_62 = arith.constant 0 : i32
    %ne3A_63 = arith.cmpi ne, %arg1, %ne3A_62 : i32
    %or3A = arith.ori %ne3A_61, %ne3A_63 : i1
    %convert_element_type3A_64 = arith.extui %or3A : i1 to i32
    %cond3A_65 = arith.constant 0 : i32
    %cond3A_66 = arith.cmpi ne, %convert_element_type3A_64, %cond3A_65 : i32
    scf.if %cond3A_66 {
      %get3A_67 = arith.constant 0 : index
      %get3A_68 = arith.constant 0 : index
      %get3A_69 = vector.load %arg11[%get3A_67, %get3A_68] : memref<256x1xf32, #tpu.memory_space<vmem>>, vector<256x1xf32>
      %add3A_70 = arith.addf %get3A_69, %broadcast_in_dim3A : vector<256x1xf32>
      %swap3A_71 = arith.constant 0 : index
      %swap3A_72 = arith.constant 0 : index
      %swap3A_73 = vector.load %arg11[%swap3A_71, %swap3A_72] : memref<256x1xf32, #tpu.memory_space<vmem>>, vector<256x1xf32>
      tpu.vector_store %arg11[%swap3A_71, %swap3A_72], %add3A_70 {strides = array<i32>} : memref<256x1xf32, #tpu.memory_space<vmem>>, vector<256x1xf32>,
      %get3A_74 = arith.constant 0 : index
      %get3A_75 = arith.constant 0 : index
      %get3A_76 = vector.load %arg12[%get3A_74, %get3A_75] : memref<256x1xf32, #tpu.memory_space<vmem>>, vector<256x1xf32>
      %add3A_77 = arith.addf %get3A_76, %broadcast_in_dim3A_55 : vector<256x1xf32>
      %swap3A_78 = arith.constant 0 : index
      %swap3A_79 = arith.constant 0 : index
      %swap3A_80 = vector.load %arg12[%swap3A_78, %swap3A_79] : memref<256x1xf32, #tpu.memory_space<vmem>>, vector<256x1xf32>
      tpu.vector_store %arg12[%swap3A_78, %swap3A_79], %add3A_77 {strides = array<i32>} : memref<256x1xf32, #tpu.memory_space<vmem>>, vector<256x1xf32>,
    } else {
    }
    return
  }
  func.func @transform_0(%arg0: i32, %arg1: i32) -> (i32, i32, i32) {
    %c0_i32 = arith.constant 0 : i32
    %c0_i32_0 = arith.constant 0 : i32
    return %arg0, %c0_i32, %arg1 : i32, i32, i32
  }
  func.func @transform_1(%arg0: i32, %arg1: i32) -> (i32, i32) {
    %c0_i32 = arith.constant 0 : i32
    %c0_i32_0 = arith.constant 0 : i32
    %c0_i32_1 = arith.constant 0 : i32
    return %c0_i32, %c0_i32_0 : i32, i32
  }
  func.func @transform_2(%arg0: i32, %arg1: i32) -> (i32, i32) {
    %c0_i32 = arith.constant 0 : i32
    %c0_i32_0 = arith.constant 0 : i32
    %c0_i32_1 = arith.constant 0 : i32
    return %c0_i32, %c0_i32_0 : i32, i32
  }
  func.func @transform_3(%arg0: i32, %arg1: i32) -> (i32, i32) {
    %c0_i32 = arith.constant 0 : i32
    %c0_i32_0 = arith.constant 0 : i32
    %c0_i32_1 = arith.constant 0 : i32
    return %c0_i32, %c0_i32_0 : i32, i32
  }
  func.func @transform_4(%arg0: i32, %arg1: i32) -> (i32, i32) {
    %c0_i32 = arith.constant 0 : i32
    %c0_i32_0 = arith.constant 0 : i32
    %c0_i32_1 = arith.constant 0 : i32
    return %c0_i32, %c0_i32_0 : i32, i32
  }
  func.func @transform_5(%arg0: i32, %arg1: i32) -> (i32, i32) {
    %c0_i32 = arith.constant 0 : i32
    %c0_i32_0 = arith.constant 0 : i32
    %c0_i32_1 = arith.constant 0 : i32
    return %c0_i32, %c0_i32_0 : i32, i32
  }
  func.func @transform_6(%arg0: i32, %arg1: i32) -> (i32, i32) {
    %c0_i32 = arith.constant 0 : i32
    %c0_i32_0 = arith.constant 0 : i32
    %c0_i32_1 = arith.constant 0 : i32
    return %c0_i32, %c0_i32_0 : i32, i32
  }
  func.func @transform_7(%arg0: i32, %arg1: i32) -> (i32, i32) {
    %c0_i32 = arith.constant 0 : i32
    %c0_i32_0 = arith.constant 0 : i32
    %c0_i32_1 = arith.constant 0 : i32
    return %c0_i32, %c0_i32_0 : i32, i32
  }
  func.func @transform_8(%arg0: i32, %arg1: i32) -> (i32, i32, i32) {
    %c0_i32 = arith.constant 0 : i32
    %c0_i32_0 = arith.constant 0 : i32
    return %arg0, %c0_i32, %arg1 : i32, i32, i32
  }
  func.func @transform_9(%arg0: i32, %arg1: i32) -> (i32, i32) {
    %c0_i32 = arith.constant 0 : i32
    %c0_i32_0 = arith.constant 0 : i32
    %c0_i32_1 = arith.constant 0 : i32
    return %c0_i32, %c0_i32_0 : i32, i32
  }
  func.func @transform_10(%arg0: i32, %arg1: i32) -> (i32, i32) {
    %c0_i32 = arith.constant 0 : i32
    %c0_i32_0 = arith.constant 0 : i32
    %c0_i32_1 = arith.constant 0 : i32
    return %c0_i32, %c0_i32_0 : i32, i32
  }
}

module attributes {stable_mosaic.version = 14 : i64} {
  func.func @_stage3_body(%arg0: i32, %arg1: i32, %arg2: memref<1x256x1024xf32, #tpu.memory_space<vmem>>, %arg3: memref<256x1xf32, #tpu.memory_space<vmem>>, %arg4: memref<256x1xf32, #tpu.memory_space<vmem>>, %arg5: memref<256x1xf32, #tpu.memory_space<vmem>>, %arg6: memref<256x1xf32, #tpu.memory_space<vmem>>, %arg7: memref<256x1xf32, #tpu.memory_space<vmem>>, %arg8: memref<256x1xf32, #tpu.memory_space<vmem>>, %arg9: memref<1x256x1024xf32, #tpu.memory_space<vmem>>) attributes {dimension_semantics = [#tpu.dimension_semantics<arbitrary>, #tpu.dimension_semantics<arbitrary>], iteration_bounds = array<i64: 4, 4>, scalar_prefetch = 0 : i64, scratch_operands = 0 : i64, tpu.core_type = #tpu.core_type<tc>, window_params = [{transform_indices = @transform_0, window_bounds = array<i64: 1, 256, 1024>}, {pipeline_mode = #tpu.pipeline_mode<synchronous>, transform_indices = @transform_1, window_bounds = array<i64: 256, 1>}, {pipeline_mode = #tpu.pipeline_mode<synchronous>, transform_indices = @transform_2, window_bounds = array<i64: 256, 1>}, {pipeline_mode = #tpu.pipeline_mode<synchronous>, transform_indices = @transform_3, window_bounds = array<i64: 256, 1>}, {pipeline_mode = #tpu.pipeline_mode<synchronous>, transform_indices = @transform_4, window_bounds = array<i64: 256, 1>}, {pipeline_mode = #tpu.pipeline_mode<synchronous>, transform_indices = @transform_5, window_bounds = array<i64: 256, 1>}, {pipeline_mode = #tpu.pipeline_mode<synchronous>, transform_indices = @transform_6, window_bounds = array<i64: 256, 1>}, {transform_indices = @transform_7, window_bounds = array<i64: 1, 256, 1024>}]} {
    %get3A = arith.constant 0 : index
    %get3A_0 = arith.constant 0 : index
    %get3A_1 = vector.load %arg3[%get3A, %get3A_0] : memref<256x1xf32, #tpu.memory_space<vmem>>, vector<256x1xf32>
    %get3A_2 = arith.constant 0 : index
    %get3A_3 = arith.constant 0 : index
    %get3A_4 = vector.load %arg4[%get3A_2, %get3A_3] : memref<256x1xf32, #tpu.memory_space<vmem>>, vector<256x1xf32>
    %add3A = arith.addf %get3A_1, %get3A_4 : vector<256x1xf32>
    %mul3A = arith.constant 3.05175781E-5 : f32
    %mul3A_5 = vector.broadcast %mul3A : f32 to vector<256x1xf32>
    %mul3A_6 = arith.mulf %add3A, %mul3A_5 : vector<256x1xf32>
    %get3A_7 = arith.constant 0 : index
    %get3A_8 = arith.constant 0 : index
    %get3A_9 = vector.load %arg5[%get3A_7, %get3A_8] : memref<256x1xf32, #tpu.memory_space<vmem>>, vector<256x1xf32>
    %get3A_10 = arith.constant 0 : index
    %get3A_11 = arith.constant 0 : index
    %get3A_12 = vector.load %arg6[%get3A_10, %get3A_11] : memref<256x1xf32, #tpu.memory_space<vmem>>, vector<256x1xf32>
    %add3A_13 = arith.addf %get3A_9, %get3A_12 : vector<256x1xf32>
    %mul3A_14 = arith.constant 3.05175781E-5 : f32
    %mul3A_15 = vector.broadcast %mul3A_14 : f32 to vector<256x1xf32>
    %mul3A_16 = arith.mulf %add3A_13, %mul3A_15 : vector<256x1xf32>
    %mul3A_17 = arith.mulf %mul3A_6, %mul3A_6 : vector<256x1xf32>
    %sub3A = arith.subf %mul3A_16, %mul3A_17 : vector<256x1xf32>
    %get3A_18 = arith.constant 0 : index
    %get3A_19 = arith.constant 0 : index
    %get3A_20 = vector.load %arg7[%get3A_18, %get3A_19] : memref<256x1xf32, #tpu.memory_space<vmem>>, vector<256x1xf32>
    %add3A_21 = arith.constant 9.99999974E-6 : f32
    %add3A_22 = vector.broadcast %add3A_21 : f32 to vector<256x1xf32>
    %add3A_23 = arith.addf %sub3A, %add3A_22 : vector<256x1xf32>
    %rsqrt3A = math.rsqrt %add3A_23 : vector<256x1xf32>
    %mul3A_24 = arith.mulf %get3A_20, %rsqrt3A : vector<256x1xf32>
    %get3A_25 = arith.constant 0 : index
    %get3A_26 = arith.constant 0 : index
    %get3A_27 = vector.load %arg8[%get3A_25, %get3A_26] : memref<256x1xf32, #tpu.memory_space<vmem>>, vector<256x1xf32>
    %mul3A_28 = arith.mulf %mul3A_6, %mul3A_24 : vector<256x1xf32>
    %sub3A_29 = arith.subf %get3A_27, %mul3A_28 : vector<256x1xf32>
    %get3A_30 = arith.constant 0 : index
    %get3A_31 = arith.constant 0 : index
    %get3A_32 = arith.constant 0 : index
    %get3A_33 = vector.load %arg2[%get3A_30, %get3A_31, %get3A_32] : memref<1x256x1024xf32, #tpu.memory_space<vmem>>, vector<1x256x1024xf32>
    %get3A_34 = vector.shape_cast %get3A_33 : vector<1x256x1024xf32> to vector<256x1024xf32>
    %mul3A_35 = vector.broadcast %mul3A_24 : vector<256x1xf32> to vector<256x1024xf32>
    %mul3A_36 = arith.mulf %get3A_34, %mul3A_35 : vector<256x1024xf32>
    %add3A_37 = vector.broadcast %sub3A_29 : vector<256x1xf32> to vector<256x1024xf32>
    %add3A_38 = arith.addf %mul3A_36, %add3A_37 : vector<256x1024xf32>
    %max3A = arith.constant 0.000000e+00 : f32
    %max3A_39 = vector.broadcast %max3A : f32 to vector<256x1024xf32>
    %max3A_40 = arith.maximumf %add3A_38, %max3A_39 : vector<256x1024xf32>
    %swap3A = arith.constant 0 : index
    %swap3A_41 = arith.constant 0 : index
    %swap3A_42 = arith.constant 0 : index
    %swap3A_43 = vector.load %arg9[%swap3A, %swap3A_41, %swap3A_42] : memref<1x256x1024xf32, #tpu.memory_space<vmem>>, vector<1x256x1024xf32>
    %swap3A_44 = vector.shape_cast %swap3A_43 : vector<1x256x1024xf32> to vector<256x1024xf32>
    %swap3A_45 = vector.shape_cast %max3A_40 : vector<256x1024xf32> to vector<1x256x1024xf32>
    tpu.vector_store %arg9[%swap3A, %swap3A_41, %swap3A_42], %swap3A_45 {strides = array<i32>} : memref<1x256x1024xf32, #tpu.memory_space<vmem>>, vector<1x256x1024xf32>,
    return
  }
  func.func @transform_0(%arg0: i32, %arg1: i32) -> (i32, i32, i32) {
    %c0_i32 = arith.constant 0 : i32
    %c0_i32_0 = arith.constant 0 : i32
    return %arg0, %c0_i32, %arg1 : i32, i32, i32
  }
  func.func @transform_1(%arg0: i32, %arg1: i32) -> (i32, i32) {
    %c0_i32 = arith.constant 0 : i32
    %c0_i32_0 = arith.constant 0 : i32
    %c0_i32_1 = arith.constant 0 : i32
    return %c0_i32, %c0_i32_0 : i32, i32
  }
  func.func @transform_2(%arg0: i32, %arg1: i32) -> (i32, i32) {
    %c0_i32 = arith.constant 0 : i32
    %c0_i32_0 = arith.constant 0 : i32
    %c0_i32_1 = arith.constant 0 : i32
    return %c0_i32, %c0_i32_0 : i32, i32
  }
  func.func @transform_3(%arg0: i32, %arg1: i32) -> (i32, i32) {
    %c0_i32 = arith.constant 0 : i32
    %c0_i32_0 = arith.constant 0 : i32
    %c0_i32_1 = arith.constant 0 : i32
    return %c0_i32, %c0_i32_0 : i32, i32
  }
  func.func @transform_4(%arg0: i32, %arg1: i32) -> (i32, i32) {
    %c0_i32 = arith.constant 0 : i32
    %c0_i32_0 = arith.constant 0 : i32
    %c0_i32_1 = arith.constant 0 : i32
    return %c0_i32, %c0_i32_0 : i32, i32
  }
  func.func @transform_5(%arg0: i32, %arg1: i32) -> (i32, i32) {
    %c0_i32 = arith.constant 0 : i32
    %c0_i32_0 = arith.constant 0 : i32
    %c0_i32_1 = arith.constant 0 : i32
    return %c0_i32, %c0_i32_0 : i32, i32
  }
  func.func @transform_6(%arg0: i32, %arg1: i32) -> (i32, i32) {
    %c0_i32 = arith.constant 0 : i32
    %c0_i32_0 = arith.constant 0 : i32
    %c0_i32_1 = arith.constant 0 : i32
    return %c0_i32, %c0_i32_0 : i32, i32
  }
  func.func @transform_7(%arg0: i32, %arg1: i32) -> (i32, i32, i32) {
    %c0_i32 = arith.constant 0 : i32
    %c0_i32_0 = arith.constant 0 : i32
    return %arg0, %c0_i32, %arg1 : i32, i32, i32
  }
}

</mosaic_0001>

<sc_bundles>
// kernel: kernel.12.cloned.1.call-start
scs
__scs_entry_jumppad:
0x0: {  	(pc) =	sbr.rel $0x88, $3  }
0x1: {  	(tag) =	ssettag $0x0;
	lr =	simm.s32 $0x1  }
0x2: {  	[smem:$0x3F97] =	sst lr;
	_ =	strace $0xD0000000  }
0x3: {  	_ = 	snop  }
0x4: {  	_ = 	snop  }
0x5: {  	_ = 	snop  }
0x6: {  	_ = 	snop  }
0x7: {  	_ = 	snop  }
__scs_overlays_trampoline_lowered:
0x8: {  	[smem:$0x3FA6] =	sst s0  }
0x9: {  	[smem:$0x3FA7] =	sst s1  }
0xa: {  	[smem:$0x3FA8] =	sst s2  }
0xb: {  	[smem:$0x3FA9] =	sst s3  }
0xc: {  	[smem:$0x3FAA] =	sst s4  }
0xd: {  	[smem:$0x3FAB] =	sst s5  }
0xe: {  	[smem:$0x3FAC] =	sst s6  }
0xf: {  	[smem:$0x3FAD] =	sst s7  }
0x10: {  	[smem:$0x3FAE] =	sst s8  }
0x11: {  	[smem:$0x3FAF] =	sst s9;
	s0 =	simm.s32 @!p0 $0x0  }
0x12: {  	s1 =	sld [smem:$0x3F95];
	s0 =	simm.s32 @p0 $0x1  }
0x13: {  	[smem:$0x3FB0] =	sst s0;
	s0 =	simm.s32 @!p1 $0x0  }
0x14: {  	s2 =	sld [smem:$0x3F94];
	s0 =	simm.s32 @p1 $0x1  }
0x15: {  	[smem:$0x3FB1] =	sst s0;
	s0 =	simm.s32 @!p2 $0x0  }
0x16: {  	s3 =	sld [smem:$0x3FDB];
	s0 =	simm.s32 @p2 $0x1  }
0x17: {  	s4 =	simm.s32 $0x1BF5;
	[smem:$0x3FB3] =	sst s0  }
0x18: {  	s0 =	sld [smem:$0x3F96];
	_ =	swait.ge [sflag:s4], $0x0  }
0x19: {  	s7 =	sld [smem:$0x3F97]  }
0x1a: {  	s8 =	sadd.s32 $0xFFFFE003, lr  }
0x1b: {  	s9 =	sadd.s32 $0xFFFFFEF7, lr;
	s5 =	simm.s32 $0xFFFFFFFF;
	p2 =	slt.u32 s8, $0xFFFFF086  }
0x1c: {  	p1 =	slt.u32 s9, $0xF7A;
	s5 =	simm.s32 @!p2 $0x0  }
0x1d: {  	s5 =	simm.s32 @p1 $0x1;
	p0 =	seq.s32 s7, s2  }
0x1e: {  	s7 =	smul.u32 @!p0 $0xF7A, s2;
	p2 =	seq.s32 @!p0 s5, $0x0  }
0x1f: {  	s9 =	smul.u32 $0xF7A, s1;
	s8 =	simm.s32 @!p0 $0x1BF5;
	p2 =	por !p2, p0  }
0x20: {  	[sflag:s8] =	ssyncset.s32 @!p0 $0xFFFFF086;
	s6 =	sadd.s32 @!p0 s3, s7;
	s7 =	simm.s32 @!p0 $0x108  }
0x21: {  	s3 =	sadd.s32 s3, s9;
	s6 =	sadd.s32 @!p0 $0x88, s6;
	s7 =	simm.s32 @p2 $0x1082  }
0x22: {  	[simem:s7], [sflag:s8] =	dma.local @!p0 [hbm:s6], $0xF7A  }
0x23: {  	s9 =	sor.u32 $0xD0000000, s2;
	s6 =	simm.s32 $0x108;
	_ =	swait.ge @!p0 [sflag:s8], $0x0  }
0x24: {  	s3 =	sadd.s32 $0x88, s3;
	s6 =	simm.s32 @!p1 $0x1082;
	[sflag:s4] =	ssyncset.s32 $0xFFFFF086  }
0x25: {  	[simem:s6], [sflag:s4] =	dma.local [hbm:s3], $0xF7A  }
0x26: {  	[smem:$0x3F97] =	sst s1;
	(tag) =	ssettag s2;
	_ =	strace s9  }
0x27: {  	s1 =	sld [smem:$0x3FA7]  }
0x28: {  	s2 =	sld [smem:$0x3FA8]  }
0x29: {  	s4 =	sld [smem:$0x3FAA]  }
0x2a: {  	p0 =	seq.s32 s5, $0x0;
	s5 =	sld [smem:$0x3FAB]  }
0x2b: {  	s6 =	sld [smem:$0x3FAC]  }
0x2c: {  	s7 =	sld [smem:$0x3FAD]  }
0x2d: {  	s3 =	simm.s32 $0x108;
	s8 =	sld [smem:$0x3FAE]  }
0x2e: {  	s3 =	simm.s32 @!p0 $0x1082;
	s9 =	sld [smem:$0x3FAF]  }
0x2f: {  	lr =	sadd.s32 s0, s3;
	s0 =	sld [smem:$0x3FA6]  }
0x30: {  	s3 =	sld [smem:$0x3FA9]  }
0x31: {  	[smem:$0x3FB2] =	sst s10  }
0x32: {  	s10 =	sld [smem:$0x3FB0];
	_ =	sdelay $0x3  }
0x33: {  	p0 =	seq.s32 s10, $0x1;
	s10 =	sld [smem:$0x3FB2];
	_ =	sdelay $0x3  }
0x34: {  	[smem:$0x3FB2] =	sst s10  }
0x35: {  	s10 =	sld [smem:$0x3FB1];
	_ =	sdelay $0x3  }
0x36: {  	p1 =	seq.s32 s10, $0x1;
	s10 =	sld [smem:$0x3FB2];
	_ =	sdelay $0x3  }
0x37: {  	[smem:$0x3FB2] =	sst s10  }
0x38: {  	s10 =	sld [smem:$0x3FB3]  }
0x39: {  	_ = 	snop;
	(pc) =	sbr.ind lr, $3  }
0x3a: {  	_ = 	snop  }
0x3b: {  	_ = 	snop  }
0x3c: {  	p2 =	seq.s32 s10, $0x1;
	s10 =	sld [smem:$0x3FB2]  }
0x3d: {  	_ =	shalt  }
0x3e: {  	_ =	shalt  }
0x3f: {  	_ =	shalt  }
0x40: {  	_ =	shalt  }
0x41: {  	_ =	shalt  }
0x42: {  	_ =	shalt  }
0x43: {  	_ =	shalt  }
0x44: {  	_ =	shalt  }
0x45: {  	_ =	shalt  }
0x46: {  	_ =	shalt  }
0x47: {  	_ =	shalt  }
0x48: {  	_ =	shalt  }
0x49: {  	_ =	shalt  }
0x4a: {  	_ =	shalt  }
0x4b: {  	_ =	shalt  }
0x4c: {  	_ =	shalt  }
0x4d: {  	_ =	shalt  }
0x4e: {  	_ =	shalt  }
0x4f: {  	_ =	shalt  }
0x50: {  	_ =	shalt  }
0x51: {  	_ =	shalt  }
0x52: {  	_ =	shalt  }
0x53: {  	_ =	shalt  }
0x54: {  	_ =	shalt  }
0x55: {  	_ =	shalt  }
0x56: {  	_ =	shalt  }
0x57: {  	_ =	shalt  }
0x58: {  	_ =	shalt  }
0x59: {  	_ =	shalt  }
0x5a: {  	_ =	shalt  }
0x5b: {  	_ =	shalt  }
0x5c: {  	_ =	shalt  }
0x5d: {  	_ =	shalt  }
0x5e: {  	_ =	shalt  }
0x5f: {  	_ =	shalt  }
0x60: {  	_ =	shalt  }
0x61: {  	_ =	shalt  }
0x62: {  	_ =	shalt  }
0x63: {  	_ =	shalt  }
0x64: {  	_ =	shalt  }
0x65: {  	_ =	shalt  }
0x66: {  	_ =	shalt  }
0x67: {  	_ =	shalt  }
0x68: {  	_ =	shalt  }
0x69: {  	_ =	shalt  }
0x6a: {  	_ =	shalt  }
0x6b: {  	_ =	shalt  }
0x6c: {  	_ =	shalt  }
0x6d: {  	_ =	shalt  }
0x6e: {  	_ =	shalt  }
0x6f: {  	_ =	shalt  }
0x70: {  	_ =	shalt  }
0x71: {  	_ =	shalt  }
0x72: {  	_ =	shalt  }
0x73: {  	_ =	shalt  }
0x74: {  	_ =	shalt  }
0x75: {  	_ =	shalt  }
0x76: {  	_ =	shalt  }
0x77: {  	_ =	shalt  }
0x78: {  	_ =	shalt  }
0x79: {  	_ =	shalt  }
0x7a: {  	_ =	shalt  }
0x7b: {  	_ =	shalt  }
0x7c: {  	_ =	shalt  }
0x7d: {  	_ =	shalt  }
0x7e: {  	_ =	shalt  }
0x7f: {  	_ =	shalt  }
0x80: {  	_ =	shalt  }
0x81: {  	_ =	shalt  }
0x82: {  	_ =	shalt  }
0x83: {  	_ =	shalt  }
0x84: {  	_ =	shalt  }
0x85: {  	_ =	shalt  }
0x86: {  	_ =	shalt  }
0x87: {  	_ =	shalt  }
.Lfunc_end0:
.L_simem_size_0:
called_computation_lowered:
.L_overlay_start_0:
0x88: {  	s2 =	sld [smem:$0x3FD9]  }
0x89: {  	s3 =	sld [smem:$0x3FFE];
	_ =	sdelay $0x1  }
0x8a: {  	s1 =	srdreg.scid  }
0x8b: {  	s0 =	sand.u32 $0x1, s1  }
0x8c: {  	s17 =	sshll.u32 s0, $0xA;
	s2 =	sadd.s32 s3, s2  }
0x8d: {  	s2 =	sadd.s32 s2, s17  }
0x8e: {  	[smem:$0x3FBE] =	sst s2  }
0x8f: {  	_ = 	snop  }
0x90: {  	s2 =	sld [smem:$0x3FD0];
	(tm) =	ssettm $0x1  }
0x91: {  	s18 =	sld [smem:$0x3FFB];
	_ =	sdelay $0x3  }
0x92: {  	_ =	strace s18  }
0x93: {  	s3 =	sld [smem:$0x3FFC];
	_ =	sdelay $0x3  }
0x94: {  	_ =	strace s3  }
0x95: {  	s3 =	sld [smem:$0x3FFD];
	_ =	sdelay $0x3  }
0x96: {  	_ =	strace s3  }
0x97: {  	_ =	strace $0x8FFFFFFF  }
0x98: {  	s19 =	sld [smem:$0x3FDB];
	_ =	sdelay $0x1  }
0x99: {  	s4 =	simm.s32 $_scs_section_size  }
0x9a: {  	s5 =	simm.s32 $_size__tile_overlayer_lowered;
	s6 =	simm.s32 $_tile_overlayer_lowered  }
0x9b: {  	s22 =	simm.s32 $0x1BFF;
	s21 =	sshll.u32 s6, $0x1;
	s3 =	sadd.s32 s4, s19  }
0x9c: {  	s7 =	simm.s32 $0x0;
	s20 =	sshll.u32 s5, $0x1;
	s5 =	sadd.s32 s21, s3  }
0x9d: {  	[timem:s7], [sflag:s22] =	dma.local [hbm:s5], s20  }
0x9e: {  	_ =	swait.ge [sflag:s22], s20  }
0x9f: {  	s4 =	ssub.s32 $0x0, s20;
	[sflag:s22] =	ssyncset.done $0x0  }
0xa0: {  	[sflag:s22] =	ssyncadd.s32 s4;
	_ =	sdelay $0x1  }
0xa1: {  	s23 =	simm.s32 $0x1B8B  }
0xa2: {  	_ =	swait.ge [sflag:s23], $0x1  }
0xa3: {  	[sflag:s23] =	ssyncset.done $0x0  }
0xa4: {  	s25 =	simm.s32 $0x1B8E;
	s24 =	sld [smem:$0x3FFE];
	[sflag:s23] =	ssyncadd.s32 $0xFFFFFFFF  }
0xa5: {  	s26 =	simm.s32 $execute0_lowered;
	[smem:$0x3FD2] =	sst s25  }
0xa6: {  	s5 =	sshll.u32 s26, $0x1;
	_ =	strace $0x80000046;
	[dreg:$0x1] =	wrdreg $0xFFFFFFFF  }
0xa7: {  	s28 =	simm.s32 $_size_execute0_lowered;
	s3 =	sadd.s32 s3, s5;
	[dreg:$0x0] =	wrdreg $0x0  }
0xa8: {  	s5 =	sshll.u32 s28, $0x1;
	[dreg:$0x2] =	wrdreg s3  }
0xa9: {  	[dreg:$0x3] =	wrdreg s5  }
0xaa: {  	[dreg:$0x4] =	wrdreg $0xC0  }
0xab: {  	_ =	task [dreg:s7], $0x5FFFF  }
0xac: {  	[dreg:$0x1] =	wrdreg $0xFFFFFFFF  }
0xad: {  	[dreg:$0x0] =	wrdreg $0x60  }
0xae: {  	[dreg:$0x2] =	wrdreg s24  }
0xaf: {  	[dreg:$0x3] =	wrdreg s2  }
0xb0: {  	[dreg:$0x4] =	wrdreg $0x9  }
0xb1: {  	_ =	task.clear_ibuf [dreg:s7], $0x5FFFF;
	_ =	strace $0x90000046  }
0xb2: {  	s29 =	simm.s32 $0x9;
	_ =	strace $0x80000048  }
0xb3: {  	_ =	swait.ge [sflag:s29], $0x1  }
0xb4: {  	[sflag:s29] =	ssyncadd.s32 $0xFFFFFFFF  }
0xb5: {  	_ =	strace $0x90000048  }
0xb6: {  	_ =	sfence  }
0xb7: {  	s30 =	sld [smem:$0x0];
	_ =	sdelay $0x2  }
0xb8: {  	s31 =	sshll.u32 s1, $0xD;
	s1 =	sshrl.u32 s1, $0x2  }
0xb9: {  	s3 =	sand.u32 $0x4000, s31;
	s1 =	sadd.s32 s1, s30  }
0xba: {  	s0 =	sor.u32 s3, s0;
	s1 =	sshll.u32 s1, $0x11  }
0xbb: {  	s0 =	sor.u32 s1, s0  }
0xbc: {  	s0 =	sadd.s32 $0x8F2B, s0  }
0xbd: {  	[sflag:s0] =	ssyncadd.remote.s32 $0x1  }
0xbe: {  	_ =	sfence.sel $0xFFFF  }
0xbf: {  	[dreg:$0x0] =	wrdreg $0xFFFFFFFF;
	(pc) =	sbr.abs _section_cstart, $3  }
0xc0: {  	[dreg:$0x1] =	wrdreg $0xFFFFFFFF  }
0xc1: {  	_ =	task.clear_ibuf [dreg:s7], $0x2FFFF;
	_ =	strace $0x9FFFFFFF  }
0xc2: {  	(tm) =	ssettm $0x7FFFFFFF  }
0xc3: {  	_ =	shalt  }
tec
execute0_lowered:
.L_overlay_start_1:
0x0: {  	(tag) =	ssettag $0x1  }
0x1: {  	s5 =	rddreg [dreg:$0x0];
	s3 =	srdreg.scid  }
0x2: {  	s2 =	rddreg [dreg:$0x1];
	s4 =	sand.u32 $0x1, s3;
	s3 =	simm.s32 $0x0  }
0x3: {  	s21 =	simm.s32 $0x80;
	[smem:$0x7FF] =	sst s3  }
0x4: {  	s22 =	simm.s32 $0x100;
	_ =	strace $0x80000047;
	[dreg:$0x4] =	wrdreg s21  }
0x5: {  	s23 =	simm.s32 $0x980;
	[dreg:$0x5] =	wrdreg s22  }
0x6: {  	s24 =	simm.s32 $0x1180;
	[dreg:$0x6] =	wrdreg s23  }
0x7: {  	s25 =	simm.s32 $0x1980;
	[dreg:$0x7] =	wrdreg s24  }
0x8: {  	s26 =	simm.s32 $0x2180;
	[dreg:$0x8] =	wrdreg s25  }
0x9: {  	s29 =	simm.s32 $0x2980;
	[dreg:$0x9] =	wrdreg s26  }
0xa: {  	s30 =	simm.s32 $0x3180;
	[dreg:$0xa] =	wrdreg s29  }
0xb: {  	s31 =	simm.s32 $0x3980;
	[dreg:$0xb] =	wrdreg s30  }
0xc: {  	s0 =	simm.s32 $0x4180;
	[dreg:$0xc] =	wrdreg s31  }
0xd: {  	s1 =	stileid.u32;
	s8 =	simm.s32 $0x5180;
	[dreg:$0xd] =	wrdreg s0  }
0xe: {  	s9 =	simm.s32 $0x5980;
	s10 =	simm.s32 $0x6180;
	[dreg:$0xf] =	wrdreg s8  }
0xf: {  	s11 =	simm.s32 $0x6980;
	s12 =	simm.s32 $0x7180;
	[dreg:$0x10] =	wrdreg s9  }
0x10: {  	s13 =	simm.s32 $0x7980;
	s14 =	simm.s32 $0x8980;
	[dreg:$0x11] =	wrdreg s10  }
0x11: {  	s15 =	simm.s32 $0x9180;
	s16 =	simm.s32 $0x9980;
	[dreg:$0x12] =	wrdreg s11  }
0x12: {  	s18 =	simm.s32 $0xA180;
	s19 =	simm.s32 $0xA980;
	[dreg:$0x13] =	wrdreg s12  }
0x13: {  	s28 =	simm.s32 $0x0;
	s6 =	sshll.u32 s1, $0xF;
	[dreg:$0x14] =	wrdreg s13  }
0x14: {  	s17 =	sshll.u32 s1, $0xA;
	s6 =	sadd.s32 s6, s5;
	[dreg:$0x15] =	wrdreg s14  }
0x15: {  	s7 =	sshll.u32 s4, $0xE;
	s5 =	sadd.s32 s17, s5;
	[dreg:$0x16] =	wrdreg s15  }
0x16: {  	s20 =	ssub.s32 $0x2, s4;
	s17 =	simm.s32 $0x13980;
	[dreg:$0x17] =	wrdreg s16  }
0x17: {  	s6 =	sadd.s32 s7, s6;
	s7 =	simm.s32 $0x4980;
	[dreg:$0x18] =	wrdreg s18  }
0x18: {  	[dreg:$0x19] =	wrdreg s19;
	s21 =	simm.s32 $0xB180;
	s8 =	sshrl.u32 s20, $0x1  }
0x19: {  	s22 =	simm.s32 $0xB980;
	s23 =	simm.s32 $0xC180;
	s24 =	sshll.u32 s4, $0x9  }
0x1a: {  	s25 =	simm.s32 $0xC980;
	s26 =	simm.s32 $0xD180;
	[dreg:$0xe] =	wrdreg s7  }
0x1b: {  	s29 =	simm.s32 $0xD980;
	s30 =	simm.s32 $0xE180;
	[dreg:$0x1a] =	wrdreg s21  }
0x1c: {  	s31 =	simm.s32 $0xE980;
	s9 =	simm.s32 $0xF180;
	[dreg:$0x1b] =	wrdreg s22  }
0x1d: {  	s10 =	simm.s32 $0x10180;
	s11 =	simm.s32 $0x10980;
	[dreg:$0x1c] =	wrdreg s23  }
0x1e: {  	s12 =	simm.s32 $0x11180;
	s13 =	simm.s32 $0x11980;
	[dreg:$0x1d] =	wrdreg s25  }
0x1f: {  	s14 =	simm.s32 $0x12180;
	s15 =	simm.s32 $0x12980;
	[dreg:$0x1e] =	wrdreg s26  }
0x20: {  	s16 =	simm.s32 $0x13180;
	s18 =	simm.s32 $0x14180;
	[dreg:$0x1f] =	wrdreg s29  }
0x21: {  	s19 =	simm.s32 $0x14980;
	s6 =	sadd.s32 $0x47A00, s6;
	[smem:$0x7FB] =	sst s30  }
0x22: {  	s7 =	ssub.s32 s20, s8;
	s5 =	sadd.s32 s24, s5;
	[smem:$0x7FC] =	sst s31  }
0x23: {  	s8 =	simm.s32 $0x8180;
	[smem:$0x7FD] =	sst s9;
	s9 =	simm.s32 $0xF980  }
0x24: {  	s20 =	simm.s32 $0x15180;
	s21 =	simm.s32 $0x15980;
	s22 =	simm.s32 $0x16180  }
0x25: {  	v2 =	vlaneseq.u32;
	s23 =	simm.s32 $0x16980;
	s24 =	simm.s32 $0x17180;
	s25 =	simm.s32 $0x17980  }
0x26: {  	vm0 =	vmmov $0xffff;
	v1 =	vshrl.u32 v2, $0x3;
	s26 =	simm.s32 $0x1;
	[dreg:$0x3] =	wrdreg s6;
	s4 =	smax.u32 s7, $0x1  }
0x27: {  	v0 =	vand.u32 $0x7, v2;
	v2 =	vor.u32 $0x8, v2;
	v1 =	vmul.u32 $0x8, v1;
	s5 =	sadd.s32 $0x3A20, s5;
	s6 =	simm.s32 $0x2;
	s7 =	simm.s32 $0x180  }
.LBB2_1:
0x28: {  	s29 =	smov.u32 s5;
	s30 =	simm.s32 $0x0  }
.LBB2_2:
0x29: {  	s31 =	sadd.s32 $0xFFFFFFE0, s29  }
0x2a: {  	[tilespmem:s3], [sflag:$0x2] =	stream.linear.gather [hbm4b:s31+s3], $0x80, $0x38;
	[tilespmem:$0x18180] =	vst v63  }
0x2b: {  	_ =	swait.ge [sflag:s6], $0x80  }
0x2c: {  	[sflag:s6] =	ssyncset.done $0x0  }
0x2d: {  	s0 =	sadd.s32 $0xFFFFFFF0, s29;
	s31 =	rddreg [dreg:$0x4];
	[sflag:s6] =	ssyncadd.s32 $0xFFFFFF80  }
0x2e: {  	[tilespmem:s31], [sflag:$0x2] =	stream.linear.gather [hbm4b:s0+s3], $0x80, $0x38;
	[tilespmem:$0x18180] =	vst v63  }
0x2f: {  	_ =	swait.ge [sflag:s6], $0x80  }
0x30: {  	[sflag:s6] =	ssyncset.done $0x0  }
0x31: {  	s31 =	rddreg [dreg:$0x5];
	[sflag:s6] =	ssyncadd.s32 $0xFFFFFF80  }
0x32: {  	[tilespmem:s31], [sflag:$0x2] =	stream.linear.gather [hbm4b:s29+s3], $0x80, $0x38;
	[tilespmem:$0x18180] =	vst v63  }
0x33: {  	_ =	swait.ge [sflag:s6], $0x80  }
0x34: {  	[sflag:s6] =	ssyncset.done $0x0  }
0x35: {  	[sflag:s6] =	ssyncadd.s32 $0xFFFFFF80  }
0x36: {  	v3 =	vld [tilespmem:$0x0];
	_ =	sdelay $0x4  }
0x37: {  	v4 =	vshll.u32 v3, $0x1  }
0x38: {  	v3 =	vand.u32 $0x7, v3;
	v4 =	vand.u32 $0xFFFFFFF0, v4  }
0x39: {  	v3 =	vor.u32 v3, v4  }
0x3a: {  	v4 =	vperm.xlane v3, v0;
	_ =	sdelay $0x1  }
0x3b: {  	v3 =	vperm.xlane v3, v2;
	v4 =	vadd.s32 v1, v4;
	_ =	sdelay $0x1  }
0x3c: {  	v3 =	vadd.s32 v1, v3;
	_ =	sdelay $0x2  }
0x3d: {  	[tilespmem:s7], [sflag:$0x1] =	stream.indirect_vreg.gather [hbm4b:s2+s3], $0x80, v4, vm0, $0xb8;
	[tilespmem:$0x18180] =	vst v63  }
0x3e: {  	s31 =	rddreg [dreg:$0x6]  }
0x3f: {  	[tilespmem:s31], [sflag:$0x1] =	stream.indirect_vreg.gather [hbm4b:s2+s3], $0x80, v3, vm0, $0xb8;
	[tilespmem:$0x18180] =	vst v63  }
0x40: {  	v3 =	vld [tilespmem:$0x10];
	_ =	sdelay $0x4  }
0x41: {  	v41 =	vshll.u32 v3, $0x1  }
0x42: {  	v3 =	vand.u32 $0x7, v3;
	v4 =	vand.u32 $0xFFFFFFF0, v41  }
0x43: {  	v3 =	vor.u32 v3, v4  }
0x44: {  	v4 =	vperm.xlane v3, v0;
	_ =	sdelay $0x1  }
0x45: {  	v3 =	vperm.xlane v3, v2;
	v4 =	vadd.s32 v1, v4;
	_ =	sdelay $0x1  }
0x46: {  	v3 =	vadd.s32 v1, v3;
	_ =	sdelay $0x1  }
0x47: {  	s0 =	rddreg [dreg:$0x7]  }
0x48: {  	[tilespmem:s0], [sflag:$0x1] =	stream.indirect_vreg.gather [hbm4b:s2+s3], $0x80, v4, vm0, $0xb8;
	[tilespmem:$0x18180] =	vst v63  }
0x49: {  	s31 =	rddreg [dreg:$0x8]  }
0x4a: {  	[tilespmem:s31], [sflag:$0x1] =	stream.indirect_vreg.gather [hbm4b:s2+s3], $0x80, v3, vm0, $0xb8;
	[tilespmem:$0x18180] =	vst v63  }
0x4b: {  	v3 =	vld [tilespmem:$0x20];
	_ =	sdelay $0x4  }
0x4c: {  	v42 =	vshll.u32 v3, $0x1  }
0x4d: {  	v3 =	vand.u32 $0x7, v3;
	v4 =	vand.u32 $0xFFFFFFF0, v42  }
0x4e: {  	v3 =	vor.u32 v3, v4  }
0x4f: {  	v4 =	vperm.xlane v3, v0;
	_ =	sdelay $0x1  }
0x50: {  	v3 =	vperm.xlane v3, v2;
	v4 =	vadd.s32 v1, v4;
	_ =	sdelay $0x1  }
0x51: {  	v3 =	vadd.s32 v1, v3;
	_ =	sdelay $0x1  }
0x52: {  	s0 =	rddreg [dreg:$0x9]  }
0x53: {  	[tilespmem:s0], [sflag:$0x1] =	stream.indirect_vreg.gather [hbm4b:s2+s3], $0x80, v4, vm0, $0xb8;
	[tilespmem:$0x18180] =	vst v63  }
0x54: {  	s31 =	rddreg [dreg:$0xa]  }
0x55: {  	[tilespmem:s31], [sflag:$0x1] =	stream.indirect_vreg.gather [hbm4b:s2+s3], $0x80, v3, vm0, $0xb8;
	[tilespmem:$0x18180] =	vst v63  }
0x56: {  	v3 =	vld [tilespmem:$0x30];
	_ =	sdelay $0x4  }
0x57: {  	v43 =	vshll.u32 v3, $0x1  }
0x58: {  	v3 =	vand.u32 $0x7, v3;
	v4 =	vand.u32 $0xFFFFFFF0, v43  }
0x59: {  	v3 =	vor.u32 v3, v4  }
0x5a: {  	v4 =	vperm.xlane v3, v0;
	_ =	sdelay $0x1  }
0x5b: {  	v3 =	vperm.xlane v3, v2;
	v4 =	vadd.s32 v1, v4;
	_ =	sdelay $0x1  }
0x5c: {  	v3 =	vadd.s32 v1, v3;
	_ =	sdelay $0x1  }
0x5d: {  	s0 =	rddreg [dreg:$0xb]  }
0x5e: {  	[tilespmem:s0], [sflag:$0x1] =	stream.indirect_vreg.gather [hbm4b:s2+s3], $0x80, v4, vm0, $0xb8;
	[tilespmem:$0x18180] =	vst v63  }
0x5f: {  	s31 =	rddreg [dreg:$0xc]  }
0x60: {  	[tilespmem:s31], [sflag:$0x1] =	stream.indirect_vreg.gather [hbm4b:s2+s3], $0x80, v3, vm0, $0xb8;
	[tilespmem:$0x18180] =	vst v63  }
0x61: {  	v3 =	vld [tilespmem:$0x40];
	_ =	sdelay $0x4  }
0x62: {  	v44 =	vshll.u32 v3, $0x1  }
0x63: {  	v3 =	vand.u32 $0x7, v3;
	v4 =	vand.u32 $0xFFFFFFF0, v44  }
0x64: {  	v3 =	vor.u32 v3, v4  }
0x65: {  	v4 =	vperm.xlane v3, v0;
	_ =	sdelay $0x1  }
0x66: {  	v3 =	vperm.xlane v3, v2;
	v4 =	vadd.s32 v1, v4;
	_ =	sdelay $0x1  }
0x67: {  	v3 =	vadd.s32 v1, v3;
	_ =	sdelay $0x1  }
0x68: {  	s0 =	rddreg [dreg:$0xd]  }
0x69: {  	[tilespmem:s0], [sflag:$0x1] =	stream.indirect_vreg.gather [hbm4b:s2+s3], $0x80, v4, vm0, $0xb8;
	[tilespmem:$0x18180] =	vst v63  }
0x6a: {  	s31 =	rddreg [dreg:$0xe]  }
0x6b: {  	[tilespmem:s31], [sflag:$0x1] =	stream.indirect_vreg.gather [hbm4b:s2+s3], $0x80, v3, vm0, $0xb8;
	[tilespmem:$0x18180] =	vst v63  }
0x6c: {  	v3 =	vld [tilespmem:$0x50];
	_ =	sdelay $0x4  }
0x6d: {  	v45 =	vshll.u32 v3, $0x1  }
0x6e: {  	v3 =	vand.u32 $0x7, v3;
	v4 =	vand.u32 $0xFFFFFFF0, v45  }
0x6f: {  	v3 =	vor.u32 v3, v4  }
0x70: {  	v4 =	vperm.xlane v3, v0;
	_ =	sdelay $0x1  }
0x71: {  	v3 =	vperm.xlane v3, v2;
	v4 =	vadd.s32 v1, v4;
	_ =	sdelay $0x1  }
0x72: {  	v3 =	vadd.s32 v1, v3;
	_ =	sdelay $0x1  }
0x73: {  	s0 =	rddreg [dreg:$0xf]  }
0x74: {  	[tilespmem:s0], [sflag:$0x1] =	stream.indirect_vreg.gather [hbm4b:s2+s3], $0x80, v4, vm0, $0xb8;
	[tilespmem:$0x18180] =	vst v63  }
0x75: {  	s31 =	rddreg [dreg:$0x10]  }
0x76: {  	[tilespmem:s31], [sflag:$0x1] =	stream.indirect_vreg.gather [hbm4b:s2+s3], $0x80, v3, vm0, $0xb8;
	[tilespmem:$0x18180] =	vst v63  }
0x77: {  	v3 =	vld [tilespmem:$0x60];
	_ =	sdelay $0x4  }
0x78: {  	v46 =	vshll.u32 v3, $0x1  }
0x79: {  	v3 =	vand.u32 $0x7, v3;
	v4 =	vand.u32 $0xFFFFFFF0, v46  }
0x7a: {  	v3 =	vor.u32 v3, v4  }
0x7b: {  	v4 =	vperm.xlane v3, v0;
	_ =	sdelay $0x1  }
0x7c: {  	v3 =	vperm.xlane v3, v2;
	v4 =	vadd.s32 v1, v4;
	_ =	sdelay $0x1  }
0x7d: {  	v3 =	vadd.s32 v1, v3;
	_ =	sdelay $0x1  }
0x7e: {  	s0 =	rddreg [dreg:$0x11]  }
0x7f: {  	[tilespmem:s0], [sflag:$0x1] =	stream.indirect_vreg.gather [hbm4b:s2+s3], $0x80, v4, vm0, $0xb8;
	[tilespmem:$0x18180] =	vst v63  }
0x80: {  	s31 =	rddreg [dreg:$0x12]  }
0x81: {  	[tilespmem:s31], [sflag:$0x1] =	stream.indirect_vreg.gather [hbm4b:s2+s3], $0x80, v3, vm0, $0xb8;
	[tilespmem:$0x18180] =	vst v63  }
0x82: {  	v3 =	vld [tilespmem:$0x70];
	_ =	sdelay $0x4  }
0x83: {  	v47 =	vshll.u32 v3, $0x1  }
0x84: {  	v3 =	vand.u32 $0x7, v3;
	v4 =	vand.u32 $0xFFFFFFF0, v47  }
0x85: {  	v3 =	vor.u32 v3, v4  }
0x86: {  	v4 =	vperm.xlane v3, v0;
	_ =	sdelay $0x1  }
0x87: {  	v3 =	vperm.xlane v3, v2;
	v4 =	vadd.s32 v1, v4;
	_ =	sdelay $0x1  }
0x88: {  	v3 =	vadd.s32 v1, v3;
	_ =	sdelay $0x1  }
0x89: {  	s0 =	rddreg [dreg:$0x13]  }
0x8a: {  	[tilespmem:s0], [sflag:$0x1] =	stream.indirect_vreg.gather [hbm4b:s2+s3], $0x80, v4, vm0, $0xb8;
	[tilespmem:$0x18180] =	vst v63  }
0x8b: {  	s31 =	rddreg [dreg:$0x14]  }
0x8c: {  	[tilespmem:s31], [sflag:$0x1] =	stream.indirect_vreg.gather [hbm4b:s2+s3], $0x80, v3, vm0, $0xb8;
	[tilespmem:$0x18180] =	vst v63  }
0x8d: {  	v3 =	vld [tilespmem:$0x80];
	_ =	sdelay $0x4  }
0x8e: {  	v48 =	vshll.u32 v3, $0x1  }
0x8f: {  	v3 =	vand.u32 $0x7, v3;
	v4 =	vand.u32 $0xFFFFFFF0, v48  }
0x90: {  	v3 =	vor.u32 v3, v4  }
0x91: {  	v4 =	vperm.xlane v3, v0;
	_ =	sdelay $0x1  }
0x92: {  	v3 =	vperm.xlane v3, v2;
	v4 =	vadd.s32 v1, v4;
	_ =	sdelay $0x1  }
0x93: {  	v3 =	vadd.s32 v1, v3;
	_ =	sdelay $0x2  }
0x94: {  	[tilespmem:s8], [sflag:$0x1] =	stream.indirect_vreg.gather [hbm4b:s2+s3], $0x80, v4, vm0, $0xb8;
	[tilespmem:$0x18180] =	vst v63  }
0x95: {  	s31 =	rddreg [dreg:$0x15]  }
0x96: {  	[tilespmem:s31], [sflag:$0x1] =	stream.indirect_vreg.gather [hbm4b:s2+s3], $0x80, v3, vm0, $0xb8;
	[tilespmem:$0x18180] =	vst v63  }
0x97: {  	v3 =	vld [tilespmem:$0x90];
	_ =	sdelay $0x4  }
0x98: {  	v49 =	vshll.u32 v3, $0x1  }
0x99: {  	v3 =	vand.u32 $0x7, v3;
	v4 =	vand.u32 $0xFFFFFFF0, v49  }
0x9a: {  	v3 =	vor.u32 v3, v4  }
0x9b: {  	v4 =	vperm.xlane v3, v0;
	_ =	sdelay $0x1  }
0x9c: {  	v3 =	vperm.xlane v3, v2;
	v4 =	vadd.s32 v1, v4;
	_ =	sdelay $0x1  }
0x9d: {  	v3 =	vadd.s32 v1, v3;
	_ =	sdelay $0x1  }
0x9e: {  	s0 =	rddreg [dreg:$0x16]  }
0x9f: {  	[tilespmem:s0], [sflag:$0x1] =	stream.indirect_vreg.gather [hbm4b:s2+s3], $0x80, v4, vm0, $0xb8;
	[tilespmem:$0x18180] =	vst v63  }
0xa0: {  	s31 =	rddreg [dreg:$0x17]  }
0xa1: {  	[tilespmem:s31], [sflag:$0x1] =	stream.indirect_vreg.gather [hbm4b:s2+s3], $0x80, v3, vm0, $0xb8;
	[tilespmem:$0x18180] =	vst v63  }
0xa2: {  	v3 =	vld [tilespmem:$0xA0];
	_ =	sdelay $0x4  }
0xa3: {  	v50 =	vshll.u32 v3, $0x1  }
0xa4: {  	v3 =	vand.u32 $0x7, v3;
	v4 =	vand.u32 $0xFFFFFFF0, v50  }
0xa5: {  	v3 =	vor.u32 v3, v4  }
0xa6: {  	v4 =	vperm.xlane v3, v0;
	_ =	sdelay $0x1  }
0xa7: {  	v3 =	vperm.xlane v3, v2;
	v4 =	vadd.s32 v1, v4;
	_ =	sdelay $0x1  }
0xa8: {  	v3 =	vadd.s32 v1, v3;
	_ =	sdelay $0x1  }
0xa9: {  	s0 =	rddreg [dreg:$0x18]  }
0xaa: {  	[tilespmem:s0], [sflag:$0x1] =	stream.indirect_vreg.gather [hbm4b:s2+s3], $0x80, v4, vm0, $0xb8;
	[tilespmem:$0x18180] =	vst v63  }
0xab: {  	s31 =	rddreg [dreg:$0x19]  }
0xac: {  	[tilespmem:s31], [sflag:$0x1] =	stream.indirect_vreg.gather [hbm4b:s2+s3], $0x80, v3, vm0, $0xb8;
	[tilespmem:$0x18180] =	vst v63  }
0xad: {  	v3 =	vld [tilespmem:$0xB0];
	_ =	sdelay $0x4  }
0xae: {  	v51 =	vshll.u32 v3, $0x1  }
0xaf: {  	v3 =	vand.u32 $0x7, v3;
	v4 =	vand.u32 $0xFFFFFFF0, v51  }
0xb0: {  	v3 =	vor.u32 v3, v4  }
0xb1: {  	v4 =	vperm.xlane v3, v0;
	_ =	sdelay $0x1  }
0xb2: {  	v3 =	vperm.xlane v3, v2;
	v4 =	vadd.s32 v1, v4;
	_ =	sdelay $0x1  }
0xb3: {  	v3 =	vadd.s32 v1, v3;
	_ =	sdelay $0x1  }
0xb4: {  	s0 =	rddreg [dreg:$0x1a]  }
0xb5: {  	[tilespmem:s0], [sflag:$0x1] =	stream.indirect_vreg.gather [hbm4b:s2+s3], $0x80, v4, vm0, $0xb8;
	[tilespmem:$0x18180] =	vst v63  }
0xb6: {  	s31 =	rddreg [dreg:$0x1b]  }
0xb7: {  	[tilespmem:s31], [sflag:$0x1] =	stream.indirect_vreg.gather [hbm4b:s2+s3], $0x80, v3, vm0, $0xb8;
	[tilespmem:$0x18180] =	vst v63  }
0xb8: {  	v3 =	vld [tilespmem:$0xC0];
	_ =	sdelay $0x4  }
0xb9: {  	v52 =	vshll.u32 v3, $0x1  }
0xba: {  	v3 =	vand.u32 $0x7, v3;
	v4 =	vand.u32 $0xFFFFFFF0, v52  }
0xbb: {  	v3 =	vor.u32 v3, v4  }
0xbc: {  	v4 =	vperm.xlane v3, v0;
	_ =	sdelay $0x1  }
0xbd: {  	v3 =	vperm.xlane v3, v2;
	v4 =	vadd.s32 v1, v4;
	_ =	sdelay $0x1  }
0xbe: {  	v3 =	vadd.s32 v1, v3;
	_ =	sdelay $0x1  }
0xbf: {  	s0 =	rddreg [dreg:$0x1c]  }
0xc0: {  	[tilespmem:s0], [sflag:$0x1] =	stream.indirect_vreg.gather [hbm4b:s2+s3], $0x80, v4, vm0, $0xb8;
	[tilespmem:$0x18180] =	vst v63  }
0xc1: {  	s31 =	rddreg [dreg:$0x1d]  }
0xc2: {  	[tilespmem:s31], [sflag:$0x1] =	stream.indirect_vreg.gather [hbm4b:s2+s3], $0x80, v3, vm0, $0xb8;
	[tilespmem:$0x18180] =	vst v63  }
0xc3: {  	v3 =	vld [tilespmem:$0xD0];
	_ =	sdelay $0x4  }
0xc4: {  	v53 =	vshll.u32 v3, $0x1  }
0xc5: {  	v3 =	vand.u32 $0x7, v3;
	v4 =	vand.u32 $0xFFFFFFF0, v53  }
0xc6: {  	v3 =	vor.u32 v3, v4  }
0xc7: {  	v4 =	vperm.xlane v3, v0;
	_ =	sdelay $0x1  }
0xc8: {  	v3 =	vperm.xlane v3, v2;
	v4 =	vadd.s32 v1, v4;
	_ =	sdelay $0x1  }
0xc9: {  	v3 =	vadd.s32 v1, v3;
	_ =	sdelay $0x1  }
0xca: {  	s0 =	rddreg [dreg:$0x1e]  }
0xcb: {  	[tilespmem:s0], [sflag:$0x1] =	stream.indirect_vreg.gather [hbm4b:s2+s3], $0x80, v4, vm0, $0xb8;
	[tilespmem:$0x18180] =	vst v63  }
0xcc: {  	s31 =	rddreg [dreg:$0x1f]  }
0xcd: {  	[tilespmem:s31], [sflag:$0x1] =	stream.indirect_vreg.gather [hbm4b:s2+s3], $0x80, v3, vm0, $0xb8;
	[tilespmem:$0x18180] =	vst v63  }
0xce: {  	v3 =	vld [tilespmem:$0xE0];
	_ =	sdelay $0x4  }
0xcf: {  	v54 =	vshll.u32 v3, $0x1  }
0xd0: {  	v3 =	vand.u32 $0x7, v3;
	v4 =	vand.u32 $0xFFFFFFF0, v54  }
0xd1: {  	v3 =	vor.u32 v3, v4  }
0xd2: {  	v4 =	vperm.xlane v3, v0;
	_ =	sdelay $0x1  }
0xd3: {  	v3 =	vperm.xlane v3, v2;
	v4 =	vadd.s32 v1, v4;
	_ =	sdelay $0x1  }
0xd4: {  	s0 =	sld [smem:$0x7FB];
	v3 =	vadd.s32 v1, v3;
	_ =	sdelay $0x1  }
0xd5: {  	s31 =	sld [smem:$0x7FC]  }
0xd6: {  	[tilespmem:s0], [sflag:$0x1] =	stream.indirect_vreg.gather [hbm4b:s2+s3], $0x80, v4, vm0, $0xb8;
	[tilespmem:$0x18180] =	vst v63  }
0xd7: {  	_ = 	snop  }
0xd8: {  	[tilespmem:s31], [sflag:$0x1] =	stream.indirect_vreg.gather [hbm4b:s2+s3], $0x80, v3, vm0, $0xb8;
	[tilespmem:$0x18180] =	vst v63  }
0xd9: {  	v3 =	vld [tilespmem:$0xF0];
	_ =	sdelay $0x4  }
0xda: {  	v55 =	vshll.u32 v3, $0x1  }
0xdb: {  	v3 =	vand.u32 $0x7, v3;
	v4 =	vand.u32 $0xFFFFFFF0, v55  }
0xdc: {  	v3 =	vor.u32 v3, v4  }
0xdd: {  	v4 =	vperm.xlane v3, v0;
	_ =	sdelay $0x1  }
0xde: {  	v3 =	vperm.xlane v3, v2;
	v4 =	vadd.s32 v1, v4;
	_ =	sdelay $0x1  }
0xdf: {  	s31 =	sld [smem:$0x7FD];
	v3 =	vadd.s32 v1, v3;
	_ =	sdelay $0x2  }
0xe0: {  	[tilespmem:s31], [sflag:$0x1] =	stream.indirect_vreg.gather [hbm4b:s2+s3], $0x80, v4, vm0, $0xb8;
	[tilespmem:$0x18180] =	vst v63  }
0xe1: {  	_ = 	snop  }
0xe2: {  	[tilespmem:s9], [sflag:$0x1] =	stream.indirect_vreg.gather [hbm4b:s2+s3], $0x80, v3, vm0, $0xb8;
	[tilespmem:$0x18180] =	vst v63  }
0xe3: {  	v3 =	vld [tilespmem:$0x100];
	_ =	sdelay $0x4  }
0xe4: {  	v56 =	vshll.u32 v3, $0x1  }
0xe5: {  	v3 =	vand.u32 $0x7, v3;
	v4 =	vand.u32 $0xFFFFFFF0, v56  }
0xe6: {  	v3 =	vor.u32 v3, v4  }
0xe7: {  	v4 =	vperm.xlane v3, v0;
	_ =	sdelay $0x1  }
0xe8: {  	v3 =	vperm.xlane v3, v2;
	v4 =	vadd.s32 v1, v4;
	_ =	sdelay $0x1  }
0xe9: {  	v3 =	vadd.s32 v1, v3;
	_ =	sdelay $0x2  }
0xea: {  	[tilespmem:s10], [sflag:$0x1] =	stream.indirect_vreg.gather [hbm4b:s2+s3], $0x80, v4, vm0, $0xb8;
	[tilespmem:$0x18180] =	vst v63  }
0xeb: {  	_ = 	snop  }
0xec: {  	[tilespmem:s11], [sflag:$0x1] =	stream.indirect_vreg.gather [hbm4b:s2+s3], $0x80, v3, vm0, $0xb8;
	[tilespmem:$0x18180] =	vst v63  }
0xed: {  	v3 =	vld [tilespmem:$0x110];
	_ =	sdelay $0x4  }
0xee: {  	v57 =	vshll.u32 v3, $0x1  }
0xef: {  	v3 =	vand.u32 $0x7, v3;
	v4 =	vand.u32 $0xFFFFFFF0, v57  }
0xf0: {  	v3 =	vor.u32 v3, v4  }
0xf1: {  	v4 =	vperm.xlane v3, v0;
	_ =	sdelay $0x1  }
0xf2: {  	v3 =	vperm.xlane v3, v2;
	v4 =	vadd.s32 v1, v4;
	_ =	sdelay $0x1  }
0xf3: {  	v3 =	vadd.s32 v1, v3;
	_ =	sdelay $0x2  }
0xf4: {  	[tilespmem:s12], [sflag:$0x1] =	stream.indirect_vreg.gather [hbm4b:s2+s3], $0x80, v4, vm0, $0xb8;
	[tilespmem:$0x18180] =	vst v63  }
0xf5: {  	_ = 	snop  }
0xf6: {  	[tilespmem:s13], [sflag:$0x1] =	stream.indirect_vreg.gather [hbm4b:s2+s3], $0x80, v3, vm0, $0xb8;
	[tilespmem:$0x18180] =	vst v63  }
0xf7: {  	v3 =	vld [tilespmem:$0x120];
	_ =	sdelay $0x4  }
0xf8: {  	v58 =	vshll.u32 v3, $0x1  }
0xf9: {  	v3 =	vand.u32 $0x7, v3;
	v4 =	vand.u32 $0xFFFFFFF0, v58  }
0xfa: {  	v3 =	vor.u32 v3, v4  }
0xfb: {  	v4 =	vperm.xlane v3, v0;
	_ =	sdelay $0x1  }
0xfc: {  	v3 =	vperm.xlane v3, v2;
	v4 =	vadd.s32 v1, v4;
	_ =	sdelay $0x1  }
0xfd: {  	v3 =	vadd.s32 v1, v3;
	_ =	sdelay $0x2  }
0xfe: {  	[tilespmem:s14], [sflag:$0x1] =	stream.indirect_vreg.gather [hbm4b:s2+s3], $0x80, v4, vm0, $0xb8;
	[tilespmem:$0x18180] =	vst v63  }
0xff: {  	_ = 	snop  }
0x100: {  	[tilespmem:s15], [sflag:$0x1] =	stream.indirect_vreg.gather [hbm4b:s2+s3], $0x80, v3, vm0, $0xb8;
	[tilespmem:$0x18180] =	vst v63  }
0x101: {  	v3 =	vld [tilespmem:$0x130];
	_ =	sdelay $0x4  }
0x102: {  	v59 =	vshll.u32 v3, $0x1  }
0x103: {  	v3 =	vand.u32 $0x7, v3;
	v4 =	vand.u32 $0xFFFFFFF0, v59  }
0x104: {  	v3 =	vor.u32 v3, v4  }
0x105: {  	v4 =	vperm.xlane v3, v0;
	_ =	sdelay $0x1  }
0x106: {  	v3 =	vperm.xlane v3, v2;
	v4 =	vadd.s32 v1, v4;
	_ =	sdelay $0x1  }
0x107: {  	v3 =	vadd.s32 v1, v3;
	_ =	sdelay $0x2  }
0x108: {  	[tilespmem:s16], [sflag:$0x1] =	stream.indirect_vreg.gather [hbm4b:s2+s3], $0x80, v4, vm0, $0xb8;
	[tilespmem:$0x18180] =	vst v63  }
0x109: {  	_ = 	snop  }
0x10a: {  	[tilespmem:s17], [sflag:$0x1] =	stream.indirect_vreg.gather [hbm4b:s2+s3], $0x80, v3, vm0, $0xb8;
	[tilespmem:$0x18180] =	vst v63  }
0x10b: {  	v3 =	vld [tilespmem:$0x140];
	_ =	sdelay $0x4  }
0x10c: {  	v60 =	vshll.u32 v3, $0x1  }
0x10d: {  	v3 =	vand.u32 $0x7, v3;
	v4 =	vand.u32 $0xFFFFFFF0, v60  }
0x10e: {  	v3 =	vor.u32 v3, v4  }
0x10f: {  	v4 =	vperm.xlane v3, v0;
	_ =	sdelay $0x1  }
0x110: {  	v3 =	vperm.xlane v3, v2;
	v4 =	vadd.s32 v1, v4;
	_ =	sdelay $0x1  }
0x111: {  	v3 =	vadd.s32 v1, v3;
	_ =	sdelay $0x2  }
0x112: {  	[tilespmem:s18], [sflag:$0x1] =	stream.indirect_vreg.gather [hbm4b:s2+s3], $0x80, v4, vm0, $0xb8;
	[tilespmem:$0x18180] =	vst v63  }
0x113: {  	_ = 	snop  }
0x114: {  	[tilespmem:s19], [sflag:$0x1] =	stream.indirect_vreg.gather [hbm4b:s2+s3], $0x80, v3, vm0, $0xb8;
	[tilespmem:$0x18180] =	vst v63  }
0x115: {  	v3 =	vld [tilespmem:$0x150];
	_ =	sdelay $0x4  }
0x116: {  	v61 =	vshll.u32 v3, $0x1  }
0x117: {  	v3 =	vand.u32 $0x7, v3;
	v4 =	vand.u32 $0xFFFFFFF0, v61  }
0x118: {  	v3 =	vor.u32 v3, v4  }
0x119: {  	v4 =	vperm.xlane v3, v0;
	_ =	sdelay $0x1  }
0x11a: {  	v3 =	vperm.xlane v3, v2;
	v4 =	vadd.s32 v1, v4;
	_ =	sdelay $0x1  }
0x11b: {  	v3 =	vadd.s32 v1, v3;
	_ =	sdelay $0x2  }
0x11c: {  	[tilespmem:s20], [sflag:$0x1] =	stream.indirect_vreg.gather [hbm4b:s2+s3], $0x80, v4, vm0, $0xb8;
	[tilespmem:$0x18180] =	vst v63  }
0x11d: {  	_ = 	snop  }
0x11e: {  	[tilespmem:s21], [sflag:$0x1] =	stream.indirect_vreg.gather [hbm4b:s2+s3], $0x80, v3, vm0, $0xb8;
	[tilespmem:$0x18180] =	vst v63  }
0x11f: {  	v3 =	vld [tilespmem:$0x160];
	_ =	sdelay $0x4  }
0x120: {  	v62 =	vshll.u32 v3, $0x1  }
0x121: {  	v3 =	vand.u32 $0x7, v3;
	v4 =	vand.u32 $0xFFFFFFF0, v62  }
0x122: {  	v3 =	vor.u32 v3, v4  }
0x123: {  	v4 =	vperm.xlane v3, v0;
	_ =	sdelay $0x1  }
0x124: {  	v3 =	vperm.xlane v3, v2;
	v4 =	vadd.s32 v1, v4;
	_ =	sdelay $0x1  }
0x125: {  	v3 =	vadd.s32 v1, v3;
	_ =	sdelay $0x2  }
0x126: {  	[tilespmem:s22], [sflag:$0x1] =	stream.indirect_vreg.gather [hbm4b:s2+s3], $0x80, v4, vm0, $0xb8;
	[tilespmem:$0x18180] =	vst v63  }
0x127: {  	_ = 	snop  }
0x128: {  	[tilespmem:s23], [sflag:$0x1] =	stream.indirect_vreg.gather [hbm4b:s2+s3], $0x80, v3, vm0, $0xb8;
	[tilespmem:$0x18180] =	vst v63  }
0x129: {  	v3 =	vld [tilespmem:$0x170];
	_ =	sdelay $0x4  }
0x12a: {  	v63 =	vshll.u32 v3, $0x1  }
0x12b: {  	v3 =	vand.u32 $0x7, v3;
	v4 =	vand.u32 $0xFFFFFFF0, v63  }
0x12c: {  	v3 =	vor.u32 v3, v4  }
0x12d: {  	v4 =	vperm.xlane v3, v0;
	_ =	sdelay $0x1  }
0x12e: {  	v3 =	vperm.xlane v3, v2;
	v4 =	vadd.s32 v1, v4;
	_ =	sdelay $0x1  }
0x12f: {  	v3 =	vadd.s32 v1, v3;
	_ =	sdelay $0x2  }
0x130: {  	[tilespmem:s24], [sflag:$0x1] =	stream.indirect_vreg.gather [hbm4b:s2+s3], $0x80, v4, vm0, $0xb8;
	[tilespmem:$0x18180] =	vst v63  }
0x131: {  	_ = 	snop  }
0x132: {  	[tilespmem:s25], [sflag:$0x1] =	stream.indirect_vreg.gather [hbm4b:s2+s3], $0x80, v3, vm0, $0xb8;
	[tilespmem:$0x18180] =	vst v63  }
0x133: {  	_ =	swait.ge [sflag:s26], $0x8000  }
0x134: {  	[sflag:s26] =	ssyncset.done $0x0  }
0x135: {  	[sflag:s26] =	ssyncadd.s32 $0xFFFF8000  }
0x136: {  	_ =	swait.ge [sflag:s26], $0x8000  }
0x137: {  	[sflag:s26] =	ssyncset.done $0x0  }
0x138: {  	[sflag:s26] =	ssyncadd.s32 $0xFFFF8000  }
0x139: {  	_ =	swait.ge [sflag:s26], $0x8000  }
0x13a: {  	s31 =	rddreg [dreg:$0x3];
	[sflag:s26] =	ssyncset.done $0x0  }
0x13b: {  	[sflag:s26] =	ssyncadd.s32 $0xFFFF8000;
	s0 =	sadd.s32 s30, s31  }
0x13c: {  	[hbm4b:s0+s3] =	stream.linear.scatter [tilespmem:s7], [sflag:$0x2], $0x8000, $0x38;
	[tilespmem:$0x18180] =	vst v63  }
0x13d: {  	_ =	swait.ge [sflag:s6], $0x8000  }
0x13e: {  	[sflag:s6] =	ssyncset.done $0x0  }
0x13f: {  	s31 =	sadd.s32 $0x80000, s0;
	[sflag:s6] =	ssyncadd.s32 $0xFFFF8000  }
0x140: {  	[hbm4b:s31+s3] =	stream.linear.scatter [tilespmem:s8], [sflag:$0x2], $0x8000, $0x38;
	[tilespmem:$0x18180] =	vst v63  }
0x141: {  	_ =	swait.ge [sflag:s6], $0x8000  }
0x142: {  	p0 =	sne.s32 s30, $0x3000;
	[sflag:s6] =	ssyncset.done $0x0  }
.Ltmp0:
0x143: {  	s0 =	sadd.s32 $0x100000, s0;
	[sflag:s6] =	ssyncadd.s32 $0xFFFF8000;
	(pc) =	sbr.rel @p0 .LBB2_2-.Ltmp0, $4  }
0x144: {  	[hbm4b:s0+s3] =	stream.linear.scatter [tilespmem:s10], [sflag:$0x2], $0x8000, $0x38;
	[tilespmem:$0x18180] =	vst v63  }
0x145: {  	_ =	swait.ge [sflag:s6], $0x8000  }
0x146: {  	[sflag:s6] =	ssyncset.done $0x0  }
0x147: {  	s29 =	sadd.s32 $0x80, s29;
	s30 =	sadd.s32 $0x1000, s30;
	[sflag:s6] =	ssyncadd.s32 $0xFFFF8000  }
0x148: {  	s28 =	sadd.s32 $0x1, s28  }
0x149: {  	p0 =	sne.s32 s28, s4  }
.Ltmp1:
0x14a: {  	_ = 	snop;
	(pc) =	sbr.rel @p0 .LBB2_1-.Ltmp1, $1  }
0x14b: {  	_ =	sdelay $0x3  }
0x14c: {  	_ =	sfence.sel $0x180000  }
0x14d: {  	[bflag:$0x0] =	sbarrier.arrive $0xFFFF  }
0x14e: {  	_ =	strace $0x90000047  }
0x14f: {  	[bflag:$0x2] =	sbarrier.arrive $0xFFFF  }
0x150: {  	p0 =	sne.s32 s1, $0x0;
	s0 =	rddreg [dreg:$0x2]  }
0x151: {  	s0 =	sadd.s32 @!p0 $0x100000, s0  }
0x152: {  	[sflag:s0] =	ssyncadd.tile.s32 @!p0 $0x1;
	_ =	shalt  }
.Lfunc_end2:
_tile_overlayer_lowered:
.L_overlay_start_2:
0x153: {  	(tag) =	ssettag $0x2  }
0x154: {  	s0 =	rddreg [dreg:$0x0];
	s2 =	stileid.u32  }
0x155: {  	s1 =	rddreg [dreg:$0x1];
	p0 =	sne.s32 s2, $0x0  }
0x156: {  	s3 =	rddreg [dreg:$0x2];
	[bflag:$0x3] =	sbarrier.arrive $0xFFFF;
	s2 =	simm.s32 @!p0 $0x1C02  }
0x157: {  	[timem:s3], [sflag:s2] =	dma.local @!p0 [hbm:s0], s1  }
0x158: {  	s0 =	simm.s32 @!p0 $0x2  }
0x159: {  	_ =	swait.ge @!p0 [sflag:s0], s1  }
0x15a: {  	s1 =	ssub.s32 @!p0 $0x0, s1;
	[sflag:s0] =	ssyncset.done @!p0 $0x0  }
0x15b: {  	[sflag:s0] =	ssyncadd.s32 @!p0 s1  }
0x15c: {  	[bflag:$0x3] =	sbarrier.arrive $0xFFFF  }
0x15d: {  	_ =	shalt  }

// kernel: kernel.15.cloned.1.call-start
scs
__scs_entry_jumppad:
0x0: {  	(pc) =	sbr.rel $0x88, $3  }
0x1: {  	(tag) =	ssettag $0x0;
	lr =	simm.s32 $0x1  }
0x2: {  	[smem:$0x3F97] =	sst lr;
	_ =	strace $0xD0000000  }
0x3: {  	_ = 	snop  }
0x4: {  	_ = 	snop  }
0x5: {  	_ = 	snop  }
0x6: {  	_ = 	snop  }
0x7: {  	_ = 	snop  }
__scs_overlays_trampoline_lowered:
0x8: {  	[smem:$0x3FA6] =	sst s0  }
0x9: {  	[smem:$0x3FA7] =	sst s1  }
0xa: {  	[smem:$0x3FA8] =	sst s2  }
0xb: {  	[smem:$0x3FA9] =	sst s3  }
0xc: {  	[smem:$0x3FAA] =	sst s4  }
0xd: {  	[smem:$0x3FAB] =	sst s5  }
0xe: {  	[smem:$0x3FAC] =	sst s6  }
0xf: {  	[smem:$0x3FAD] =	sst s7  }
0x10: {  	[smem:$0x3FAE] =	sst s8  }
0x11: {  	[smem:$0x3FAF] =	sst s9;
	s0 =	simm.s32 @!p0 $0x0  }
0x12: {  	s1 =	sld [smem:$0x3F95];
	s0 =	simm.s32 @p0 $0x1  }
0x13: {  	[smem:$0x3FB0] =	sst s0;
	s0 =	simm.s32 @!p1 $0x0  }
0x14: {  	s2 =	sld [smem:$0x3F94];
	s0 =	simm.s32 @p1 $0x1  }
0x15: {  	[smem:$0x3FB1] =	sst s0;
	s0 =	simm.s32 @!p2 $0x0  }
0x16: {  	s3 =	sld [smem:$0x3FDB];
	s0 =	simm.s32 @p2 $0x1  }
0x17: {  	s4 =	simm.s32 $0x1BF5;
	[smem:$0x3FB3] =	sst s0  }
0x18: {  	s0 =	sld [smem:$0x3F96];
	_ =	swait.ge [sflag:s4], $0x0  }
0x19: {  	s7 =	sld [smem:$0x3F97]  }
0x1a: {  	s8 =	sadd.s32 $0xFFFFE003, lr  }
0x1b: {  	s9 =	sadd.s32 $0xFFFFFEF7, lr;
	s5 =	simm.s32 $0xFFFFFFFF;
	p2 =	slt.u32 s8, $0xFFFFF086  }
0x1c: {  	p1 =	slt.u32 s9, $0xF7A;
	s5 =	simm.s32 @!p2 $0x0  }
0x1d: {  	s5 =	simm.s32 @p1 $0x1;
	p0 =	seq.s32 s7, s2  }
0x1e: {  	s7 =	smul.u32 @!p0 $0xF7A, s2;
	p2 =	seq.s32 @!p0 s5, $0x0  }
0x1f: {  	s9 =	smul.u32 $0xF7A, s1;
	s8 =	simm.s32 @!p0 $0x1BF5;
	p2 =	por !p2, p0  }
0x20: {  	[sflag:s8] =	ssyncset.s32 @!p0 $0xFFFFF086;
	s6 =	sadd.s32 @!p0 s3, s7;
	s7 =	simm.s32 @!p0 $0x108  }
0x21: {  	s3 =	sadd.s32 s3, s9;
	s6 =	sadd.s32 @!p0 $0x88, s6;
	s7 =	simm.s32 @p2 $0x1082  }
0x22: {  	[simem:s7], [sflag:s8] =	dma.local @!p0 [hbm:s6], $0xF7A  }
0x23: {  	s9 =	sor.u32 $0xD0000000, s2;
	s6 =	simm.s32 $0x108;
	_ =	swait.ge @!p0 [sflag:s8], $0x0  }
0x24: {  	s3 =	sadd.s32 $0x88, s3;
	s6 =	simm.s32 @!p1 $0x1082;
	[sflag:s4] =	ssyncset.s32 $0xFFFFF086  }
0x25: {  	[simem:s6], [sflag:s4] =	dma.local [hbm:s3], $0xF7A  }
0x26: {  	[smem:$0x3F97] =	sst s1;
	(tag) =	ssettag s2;
	_ =	strace s9  }
0x27: {  	s1 =	sld [smem:$0x3FA7]  }
0x28: {  	s2 =	sld [smem:$0x3FA8]  }
0x29: {  	s4 =	sld [smem:$0x3FAA]  }
0x2a: {  	p0 =	seq.s32 s5, $0x0;
	s5 =	sld [smem:$0x3FAB]  }
0x2b: {  	s6 =	sld [smem:$0x3FAC]  }
0x2c: {  	s7 =	sld [smem:$0x3FAD]  }
0x2d: {  	s3 =	simm.s32 $0x108;
	s8 =	sld [smem:$0x3FAE]  }
0x2e: {  	s3 =	simm.s32 @!p0 $0x1082;
	s9 =	sld [smem:$0x3FAF]  }
0x2f: {  	lr =	sadd.s32 s0, s3;
	s0 =	sld [smem:$0x3FA6]  }
0x30: {  	s3 =	sld [smem:$0x3FA9]  }
0x31: {  	[smem:$0x3FB2] =	sst s10  }
0x32: {  	s10 =	sld [smem:$0x3FB0];
	_ =	sdelay $0x3  }
0x33: {  	p0 =	seq.s32 s10, $0x1;
	s10 =	sld [smem:$0x3FB2];
	_ =	sdelay $0x3  }
0x34: {  	[smem:$0x3FB2] =	sst s10  }
0x35: {  	s10 =	sld [smem:$0x3FB1];
	_ =	sdelay $0x3  }
0x36: {  	p1 =	seq.s32 s10, $0x1;
	s10 =	sld [smem:$0x3FB2];
	_ =	sdelay $0x3  }
0x37: {  	[smem:$0x3FB2] =	sst s10  }
0x38: {  	s10 =	sld [smem:$0x3FB3]  }
0x39: {  	_ = 	snop;
	(pc) =	sbr.ind lr, $3  }
0x3a: {  	_ = 	snop  }
0x3b: {  	_ = 	snop  }
0x3c: {  	p2 =	seq.s32 s10, $0x1;
	s10 =	sld [smem:$0x3FB2]  }
0x3d: {  	_ =	shalt  }
0x3e: {  	_ =	shalt  }
0x3f: {  	_ =	shalt  }
0x40: {  	_ =	shalt  }
0x41: {  	_ =	shalt  }
0x42: {  	_ =	shalt  }
0x43: {  	_ =	shalt  }
0x44: {  	_ =	shalt  }
0x45: {  	_ =	shalt  }
0x46: {  	_ =	shalt  }
0x47: {  	_ =	shalt  }
0x48: {  	_ =	shalt  }
0x49: {  	_ =	shalt  }
0x4a: {  	_ =	shalt  }
0x4b: {  	_ =	shalt  }
0x4c: {  	_ =	shalt  }
0x4d: {  	_ =	shalt  }
0x4e: {  	_ =	shalt  }
0x4f: {  	_ =	shalt  }
0x50: {  	_ =	shalt  }
0x51: {  	_ =	shalt  }
0x52: {  	_ =	shalt  }
0x53: {  	_ =	shalt  }
0x54: {  	_ =	shalt  }
0x55: {  	_ =	shalt  }
0x56: {  	_ =	shalt  }
0x57: {  	_ =	shalt  }
0x58: {  	_ =	shalt  }
0x59: {  	_ =	shalt  }
0x5a: {  	_ =	shalt  }
0x5b: {  	_ =	shalt  }
0x5c: {  	_ =	shalt  }
0x5d: {  	_ =	shalt  }
0x5e: {  	_ =	shalt  }
0x5f: {  	_ =	shalt  }
0x60: {  	_ =	shalt  }
0x61: {  	_ =	shalt  }
0x62: {  	_ =	shalt  }
0x63: {  	_ =	shalt  }
0x64: {  	_ =	shalt  }
0x65: {  	_ =	shalt  }
0x66: {  	_ =	shalt  }
0x67: {  	_ =	shalt  }
0x68: {  	_ =	shalt  }
0x69: {  	_ =	shalt  }
0x6a: {  	_ =	shalt  }
0x6b: {  	_ =	shalt  }
0x6c: {  	_ =	shalt  }
0x6d: {  	_ =	shalt  }
0x6e: {  	_ =	shalt  }
0x6f: {  	_ =	shalt  }
0x70: {  	_ =	shalt  }
0x71: {  	_ =	shalt  }
0x72: {  	_ =	shalt  }
0x73: {  	_ =	shalt  }
0x74: {  	_ =	shalt  }
0x75: {  	_ =	shalt  }
0x76: {  	_ =	shalt  }
0x77: {  	_ =	shalt  }
0x78: {  	_ =	shalt  }
0x79: {  	_ =	shalt  }
0x7a: {  	_ =	shalt  }
0x7b: {  	_ =	shalt  }
0x7c: {  	_ =	shalt  }
0x7d: {  	_ =	shalt  }
0x7e: {  	_ =	shalt  }
0x7f: {  	_ =	shalt  }
0x80: {  	_ =	shalt  }
0x81: {  	_ =	shalt  }
0x82: {  	_ =	shalt  }
0x83: {  	_ =	shalt  }
0x84: {  	_ =	shalt  }
0x85: {  	_ =	shalt  }
0x86: {  	_ =	shalt  }
0x87: {  	_ =	shalt  }
.Lfunc_end0:
.L_simem_size_0:
called_computation.1_lowered:
.L_overlay_start_0:
0x88: {  	s2 =	sld [smem:$0x3FD9]  }
0x89: {  	s3 =	sld [smem:$0x3FFE];
	_ =	sdelay $0x1  }
0x8a: {  	s1 =	srdreg.scid  }
0x8b: {  	s0 =	sand.u32 $0x1, s1  }
0x8c: {  	s17 =	sshll.u32 s0, $0xA;
	s2 =	sadd.s32 s3, s2  }
0x8d: {  	s2 =	sadd.s32 s2, s17  }
0x8e: {  	[smem:$0x3FBE] =	sst s2  }
0x8f: {  	_ = 	snop  }
0x90: {  	s18 =	sld [smem:$0x3FD0];
	(tm) =	ssettm $0x1  }
0x91: {  	s19 =	sld [smem:$0x3FFB];
	_ =	sdelay $0x3  }
0x92: {  	_ =	strace s19  }
0x93: {  	s2 =	sld [smem:$0x3FFC];
	_ =	sdelay $0x3  }
0x94: {  	_ =	strace s2  }
0x95: {  	s2 =	sld [smem:$0x3FFD];
	_ =	sdelay $0x3  }
0x96: {  	_ =	strace s2  }
0x97: {  	_ =	strace $0x8FFFFFFF  }
0x98: {  	s20 =	sld [smem:$0x3FDB];
	_ =	sdelay $0x1  }
0x99: {  	s4 =	simm.s32 $_scs_section_size  }
0x9a: {  	s5 =	simm.s32 $_size__tile_overlayer_lowered;
	s6 =	simm.s32 $_tile_overlayer_lowered  }
0x9b: {  	s7 =	simm.s32 $0x1BFF;
	s21 =	sshll.u32 s6, $0x1;
	s4 =	sadd.s32 s4, s20  }
0x9c: {  	s22 =	simm.s32 $0x0;
	s5 =	sshll.u32 s5, $0x1;
	s6 =	sadd.s32 s21, s4  }
0x9d: {  	[timem:s22], [sflag:s7] =	dma.local [hbm:s6], s5  }
0x9e: {  	_ =	swait.ge [sflag:s7], s5  }
0x9f: {  	s5 =	ssub.s32 $0x0, s5;
	[sflag:s7] =	ssyncset.done $0x0  }
0xa0: {  	[sflag:s7] =	ssyncadd.s32 s5;
	_ =	sdelay $0x1  }
0xa1: {  	s23 =	simm.s32 $0x1B8B  }
0xa2: {  	_ =	swait.ge [sflag:s23], $0x1  }
0xa3: {  	[sflag:s23] =	ssyncset.done $0x0  }
0xa4: {  	[sflag:s23] =	ssyncadd.s32 $0xFFFFFFFF  }
0xa5: {  	s5 =	sld [smem:$0x0]  }
0xa6: {  	s6 =	sand.u32 $0xFFFFFFFE, s1  }
0xa7: {  	p0 =	sne.s32 s1, s6  }
0xa8: {  	s6 =	sshll.u32 @p0 s6, $0xE  }
0xa9: {  	s6 =	sadd.s32 @p0 $0x11B8D, s6;
	s7 =	sshll.u32 @p0 s5, $0x11  }
0xaa: {  	s6 =	sor.u32 @p0 s7, s6  }
0xab: {  	[sflag:s6] =	ssyncadd.remote.s32 @p0 $0x1;
	_ =	sdelay $0x1  }
0xac: {  	s6 =	simm.s32 @p0 $0x1B8D  }
0xad: {  	_ =	swait.eq @p0 [sflag:s6], $0x1  }
0xae: {  	[sflag:s6] =	ssyncadd.s32 @p0 $0xFFFFFFFF  }
0xaf: {  	s7 =	sshll.u32 @!p0 s1, $0xE  }
0xb0: {  	s7 =	sor.u32 @!p0 $0x4000, s7;
	s6 =	simm.s32 @!p0 $0x1B8D  }
0xb1: {  	s5 =	sshll.u32 @!p0 s5, $0x11;
	s7 =	sadd.s32 @!p0 $0x11B8D, s7;
	_ =	swait.eq @!p0 [sflag:s6], $0x1  }
0xb2: {  	s5 =	sor.u32 @!p0 s5, s7;
	[sflag:s6] =	ssyncadd.s32 @!p0 $0xFFFFFFFF  }
0xb3: {  	s25 =	simm.s32 $0x1B8E;
	s24 =	sld [smem:$0x3FFE];
	[sflag:s5] =	ssyncadd.remote.s32 @!p0 $0x1  }
0xb4: {  	s26 =	simm.s32 $execute0_lowered;
	[smem:$0x3FD2] =	sst s25  }
0xb5: {  	s6 =	sshll.u32 s26, $0x1;
	_ =	strace $0x80000049;
	[dreg:$0x1] =	wrdreg $0xFFFFFFFF  }
0xb6: {  	s28 =	simm.s32 $_size_execute0_lowered;
	s4 =	sadd.s32 s4, s6;
	[dreg:$0x0] =	wrdreg $0x0  }
0xb7: {  	s6 =	sshll.u32 s28, $0x1;
	[dreg:$0x2] =	wrdreg s4  }
0xb8: {  	[dreg:$0x3] =	wrdreg s6  }
0xb9: {  	[dreg:$0x4] =	wrdreg $0xC0  }
0xba: {  	_ =	task [dreg:s22], $0x5FFFF  }
0xbb: {  	[dreg:$0x1] =	wrdreg $0xFFFFFFFF  }
0xbc: {  	[dreg:$0x0] =	wrdreg $0x60  }
0xbd: {  	[dreg:$0x2] =	wrdreg s24  }
0xbe: {  	[dreg:$0x3] =	wrdreg s18  }
0xbf: {  	[dreg:$0x4] =	wrdreg $0xA  }
0xc0: {  	_ =	task.clear_ibuf [dreg:s22], $0x5FFFF;
	_ =	strace $0x90000049  }
0xc1: {  	s29 =	simm.s32 $0xA;
	_ =	strace $0x8000004B  }
0xc2: {  	_ =	swait.ge [sflag:s29], $0x1  }
0xc3: {  	[sflag:s29] =	ssyncadd.s32 $0xFFFFFFFF  }
0xc4: {  	_ =	strace $0x9000004B  }
0xc5: {  	_ =	sfence  }
0xc6: {  	s30 =	sld [smem:$0x0];
	_ =	sdelay $0x2  }
0xc7: {  	s31 =	sshll.u32 s1, $0xD;
	s1 =	sshrl.u32 s1, $0x2  }
0xc8: {  	s4 =	sand.u32 $0x4000, s31;
	s1 =	sadd.s32 s1, s30  }
0xc9: {  	s0 =	sor.u32 s4, s0;
	s1 =	sshll.u32 s1, $0x11  }
0xca: {  	s0 =	sor.u32 s1, s0  }
0xcb: {  	s0 =	sadd.s32 $0x8F2B, s0  }
0xcc: {  	[sflag:s0] =	ssyncadd.remote.s32 $0x1  }
0xcd: {  	_ =	sfence.sel $0xFFFF  }
0xce: {  	[dreg:$0x0] =	wrdreg $0xFFFFFFFF;
	(pc) =	sbr.abs _section_cstart, $3  }
0xcf: {  	[dreg:$0x1] =	wrdreg $0xFFFFFFFF  }
0xd0: {  	_ =	task.clear_ibuf [dreg:s22], $0x2FFFF;
	_ =	strace $0x9FFFFFFF  }
0xd1: {  	(tm) =	ssettm $0x7FFFFFFF  }
tec
execute0_lowered:
.L_overlay_start_1:
0x0: {  	(tag) =	ssettag $0x1  }
0x1: {  	s5 =	rddreg [dreg:$0x0];
	s3 =	srdreg.scid  }
0x2: {  	s2 =	rddreg [dreg:$0x1];
	s4 =	sand.u32 $0x1, s3;
	s3 =	simm.s32 $0x0  }
0x3: {  	s21 =	simm.s32 $0x80;
	[smem:$0x7FF] =	sst s3  }
0x4: {  	s22 =	simm.s32 $0x100;
	_ =	strace $0x8000004A;
	[dreg:$0x4] =	wrdreg s21  }
0x5: {  	s23 =	simm.s32 $0x980;
	[dreg:$0x5] =	wrdreg s22  }
0x6: {  	s24 =	simm.s32 $0x1180;
	[dreg:$0x6] =	wrdreg s23  }
0x7: {  	s25 =	simm.s32 $0x1980;
	[dreg:$0x7] =	wrdreg s24  }
0x8: {  	s26 =	simm.s32 $0x2180;
	[dreg:$0x8] =	wrdreg s25  }
0x9: {  	s29 =	simm.s32 $0x2980;
	[dreg:$0x9] =	wrdreg s26  }
0xa: {  	s30 =	simm.s32 $0x3180;
	[dreg:$0xa] =	wrdreg s29  }
0xb: {  	s31 =	simm.s32 $0x3980;
	[dreg:$0xb] =	wrdreg s30  }
0xc: {  	s0 =	simm.s32 $0x4180;
	[dreg:$0xc] =	wrdreg s31  }
0xd: {  	s1 =	stileid.u32;
	s8 =	simm.s32 $0x5180;
	[dreg:$0xd] =	wrdreg s0  }
0xe: {  	s9 =	simm.s32 $0x5980;
	s10 =	simm.s32 $0x6180;
	[dreg:$0xf] =	wrdreg s8  }
0xf: {  	s11 =	simm.s32 $0x6980;
	s12 =	simm.s32 $0x7180;
	[dreg:$0x10] =	wrdreg s9  }
0x10: {  	s13 =	simm.s32 $0x7980;
	s14 =	simm.s32 $0x8980;
	[dreg:$0x11] =	wrdreg s10  }
0x11: {  	s15 =	simm.s32 $0x9180;
	s16 =	simm.s32 $0x9980;
	[dreg:$0x12] =	wrdreg s11  }
0x12: {  	s18 =	simm.s32 $0xA180;
	s19 =	simm.s32 $0xA980;
	[dreg:$0x13] =	wrdreg s12  }
0x13: {  	s28 =	simm.s32 $0x0;
	s6 =	sshll.u32 s1, $0xF;
	[dreg:$0x14] =	wrdreg s13  }
0x14: {  	s17 =	sshll.u32 s1, $0xA;
	s6 =	sadd.s32 s6, s5;
	[dreg:$0x15] =	wrdreg s14  }
0x15: {  	s7 =	sshll.u32 s4, $0xE;
	s5 =	sadd.s32 s17, s5;
	[dreg:$0x16] =	wrdreg s15  }
0x16: {  	s20 =	ssub.s32 $0x2, s4;
	s17 =	simm.s32 $0x13980;
	[dreg:$0x17] =	wrdreg s16  }
0x17: {  	s6 =	sadd.s32 s7, s6;
	s7 =	simm.s32 $0x4980;
	[dreg:$0x18] =	wrdreg s18  }
0x18: {  	[dreg:$0x19] =	wrdreg s19;
	s21 =	simm.s32 $0xB180;
	s8 =	sshrl.u32 s20, $0x1  }
0x19: {  	s22 =	simm.s32 $0xB980;
	s23 =	simm.s32 $0xC180;
	s24 =	sshll.u32 s4, $0x9  }
0x1a: {  	s25 =	simm.s32 $0xC980;
	s26 =	simm.s32 $0xD180;
	[dreg:$0xe] =	wrdreg s7  }
0x1b: {  	s29 =	simm.s32 $0xD980;
	s30 =	simm.s32 $0xE180;
	[dreg:$0x1a] =	wrdreg s21  }
0x1c: {  	s31 =	simm.s32 $0xE980;
	s9 =	simm.s32 $0xF180;
	[dreg:$0x1b] =	wrdreg s22  }
0x1d: {  	s10 =	simm.s32 $0x10180;
	s11 =	simm.s32 $0x10980;
	[dreg:$0x1c] =	wrdreg s23  }
0x1e: {  	s12 =	simm.s32 $0x11180;
	s13 =	simm.s32 $0x11980;
	[dreg:$0x1d] =	wrdreg s25  }
0x1f: {  	s14 =	simm.s32 $0x12180;
	s15 =	simm.s32 $0x12980;
	[dreg:$0x1e] =	wrdreg s26  }
0x20: {  	s16 =	simm.s32 $0x13180;
	s18 =	simm.s32 $0x14180;
	[dreg:$0x1f] =	wrdreg s29  }
0x21: {  	s19 =	simm.s32 $0x14980;
	s6 =	sadd.s32 $0x20BA00, s6;
	[smem:$0x7FB] =	sst s30  }
0x22: {  	s7 =	ssub.s32 s20, s8;
	s5 =	sadd.s32 s24, s5;
	[smem:$0x7FC] =	sst s31  }
0x23: {  	s8 =	simm.s32 $0x8180;
	[smem:$0x7FD] =	sst s9;
	s9 =	simm.s32 $0xF980  }
0x24: {  	s20 =	simm.s32 $0x15180;
	s21 =	simm.s32 $0x15980;
	s22 =	simm.s32 $0x16180  }
0x25: {  	v2 =	vlaneseq.u32;
	s23 =	simm.s32 $0x16980;
	s24 =	simm.s32 $0x17180;
	s25 =	simm.s32 $0x17980  }
0x26: {  	vm0 =	vmmov $0xffff;
	v1 =	vshrl.u32 v2, $0x3;
	s26 =	simm.s32 $0x1;
	[dreg:$0x3] =	wrdreg s6;
	s4 =	smax.u32 s7, $0x1  }
0x27: {  	v0 =	vand.u32 $0x7, v2;
	v2 =	vor.u32 $0x8, v2;
	v1 =	vmul.u32 $0x8, v1;
	s5 =	sadd.s32 $0x1C7A20, s5;
	s6 =	simm.s32 $0x2;
	s7 =	simm.s32 $0x180  }
.LBB2_1:
0x28: {  	s29 =	smov.u32 s5;
	s30 =	simm.s32 $0x0  }
.LBB2_2:
0x29: {  	s31 =	sadd.s32 $0xFFFFFFE0, s29  }
0x2a: {  	[tilespmem:s3], [sflag:$0x2] =	stream.linear.gather [hbm4b:s31+s3], $0x80, $0x38;
	[tilespmem:$0x18180] =	vst v63  }
0x2b: {  	_ =	swait.ge [sflag:s6], $0x80  }
0x2c: {  	[sflag:s6] =	ssyncset.done $0x0  }
0x2d: {  	s0 =	sadd.s32 $0xFFFFFFF0, s29;
	s31 =	rddreg [dreg:$0x4];
	[sflag:s6] =	ssyncadd.s32 $0xFFFFFF80  }
0x2e: {  	[tilespmem:s31], [sflag:$0x2] =	stream.linear.gather [hbm4b:s0+s3], $0x80, $0x38;
	[tilespmem:$0x18180] =	vst v63  }
0x2f: {  	_ =	swait.ge [sflag:s6], $0x80  }
0x30: {  	[sflag:s6] =	ssyncset.done $0x0  }
0x31: {  	s31 =	rddreg [dreg:$0x5];
	[sflag:s6] =	ssyncadd.s32 $0xFFFFFF80  }
0x32: {  	[tilespmem:s31], [sflag:$0x2] =	stream.linear.gather [hbm4b:s29+s3], $0x80, $0x38;
	[tilespmem:$0x18180] =	vst v63  }
0x33: {  	_ =	swait.ge [sflag:s6], $0x80  }
0x34: {  	[sflag:s6] =	ssyncset.done $0x0  }
0x35: {  	[sflag:s6] =	ssyncadd.s32 $0xFFFFFF80  }
0x36: {  	v3 =	vld [tilespmem:$0x0];
	_ =	sdelay $0x4  }
0x37: {  	v4 =	vshll.u32 v3, $0x1  }
0x38: {  	v3 =	vand.u32 $0x7, v3;
	v4 =	vand.u32 $0xFFFFFFF0, v4  }
0x39: {  	v3 =	vor.u32 v3, v4  }
0x3a: {  	v4 =	vperm.xlane v3, v0;
	_ =	sdelay $0x1  }
0x3b: {  	v3 =	vperm.xlane v3, v2;
	v4 =	vadd.s32 v1, v4;
	_ =	sdelay $0x1  }
0x3c: {  	v3 =	vadd.s32 v1, v3;
	_ =	sdelay $0x2  }
0x3d: {  	[tilespmem:s7], [sflag:$0x1] =	stream.indirect_vreg.gather [hbm4b:s2+s3], $0x80, v4, vm0, $0xb8;
	[tilespmem:$0x18180] =	vst v63  }
0x3e: {  	s31 =	rddreg [dreg:$0x6]  }
0x3f: {  	[tilespmem:s31], [sflag:$0x1] =	stream.indirect_vreg.gather [hbm4b:s2+s3], $0x80, v3, vm0, $0xb8;
	[tilespmem:$0x18180] =	vst v63  }
0x40: {  	v3 =	vld [tilespmem:$0x10];
	_ =	sdelay $0x4  }
0x41: {  	v41 =	vshll.u32 v3, $0x1  }
0x42: {  	v3 =	vand.u32 $0x7, v3;
	v4 =	vand.u32 $0xFFFFFFF0, v41  }
0x43: {  	v3 =	vor.u32 v3, v4  }
0x44: {  	v4 =	vperm.xlane v3, v0;
	_ =	sdelay $0x1  }
0x45: {  	v3 =	vperm.xlane v3, v2;
	v4 =	vadd.s32 v1, v4;
	_ =	sdelay $0x1  }
0x46: {  	v3 =	vadd.s32 v1, v3;
	_ =	sdelay $0x1  }
0x47: {  	s0 =	rddreg [dreg:$0x7]  }
0x48: {  	[tilespmem:s0], [sflag:$0x1] =	stream.indirect_vreg.gather [hbm4b:s2+s3], $0x80, v4, vm0, $0xb8;
	[tilespmem:$0x18180] =	vst v63  }
0x49: {  	s31 =	rddreg [dreg:$0x8]  }
0x4a: {  	[tilespmem:s31], [sflag:$0x1] =	stream.indirect_vreg.gather [hbm4b:s2+s3], $0x80, v3, vm0, $0xb8;
	[tilespmem:$0x18180] =	vst v63  }
0x4b: {  	v3 =	vld [tilespmem:$0x20];
	_ =	sdelay $0x4  }
0x4c: {  	v42 =	vshll.u32 v3, $0x1  }
0x4d: {  	v3 =	vand.u32 $0x7, v3;
	v4 =	vand.u32 $0xFFFFFFF0, v42  }
0x4e: {  	v3 =	vor.u32 v3, v4  }
0x4f: {  	v4 =	vperm.xlane v3, v0;
	_ =	sdelay $0x1  }
0x50: {  	v3 =	vperm.xlane v3, v2;
	v4 =	vadd.s32 v1, v4;
	_ =	sdelay $0x1  }
0x51: {  	v3 =	vadd.s32 v1, v3;
	_ =	sdelay $0x1  }
0x52: {  	s0 =	rddreg [dreg:$0x9]  }
0x53: {  	[tilespmem:s0], [sflag:$0x1] =	stream.indirect_vreg.gather [hbm4b:s2+s3], $0x80, v4, vm0, $0xb8;
	[tilespmem:$0x18180] =	vst v63  }
0x54: {  	s31 =	rddreg [dreg:$0xa]  }
0x55: {  	[tilespmem:s31], [sflag:$0x1] =	stream.indirect_vreg.gather [hbm4b:s2+s3], $0x80, v3, vm0, $0xb8;
	[tilespmem:$0x18180] =	vst v63  }
0x56: {  	v3 =	vld [tilespmem:$0x30];
	_ =	sdelay $0x4  }
0x57: {  	v43 =	vshll.u32 v3, $0x1  }
0x58: {  	v3 =	vand.u32 $0x7, v3;
	v4 =	vand.u32 $0xFFFFFFF0, v43  }
0x59: {  	v3 =	vor.u32 v3, v4  }
0x5a: {  	v4 =	vperm.xlane v3, v0;
	_ =	sdelay $0x1  }
0x5b: {  	v3 =	vperm.xlane v3, v2;
	v4 =	vadd.s32 v1, v4;
	_ =	sdelay $0x1  }
0x5c: {  	v3 =	vadd.s32 v1, v3;
	_ =	sdelay $0x1  }
0x5d: {  	s0 =	rddreg [dreg:$0xb]  }
0x5e: {  	[tilespmem:s0], [sflag:$0x1] =	stream.indirect_vreg.gather [hbm4b:s2+s3], $0x80, v4, vm0, $0xb8;
	[tilespmem:$0x18180] =	vst v63  }
0x5f: {  	s31 =	rddreg [dreg:$0xc]  }
0x60: {  	[tilespmem:s31], [sflag:$0x1] =	stream.indirect_vreg.gather [hbm4b:s2+s3], $0x80, v3, vm0, $0xb8;
	[tilespmem:$0x18180] =	vst v63  }
0x61: {  	v3 =	vld [tilespmem:$0x40];
	_ =	sdelay $0x4  }
0x62: {  	v44 =	vshll.u32 v3, $0x1  }
0x63: {  	v3 =	vand.u32 $0x7, v3;
	v4 =	vand.u32 $0xFFFFFFF0, v44  }
0x64: {  	v3 =	vor.u32 v3, v4  }
0x65: {  	v4 =	vperm.xlane v3, v0;
	_ =	sdelay $0x1  }
0x66: {  	v3 =	vperm.xlane v3, v2;
	v4 =	vadd.s32 v1, v4;
	_ =	sdelay $0x1  }
0x67: {  	v3 =	vadd.s32 v1, v3;
	_ =	sdelay $0x1  }
0x68: {  	s0 =	rddreg [dreg:$0xd]  }
0x69: {  	[tilespmem:s0], [sflag:$0x1] =	stream.indirect_vreg.gather [hbm4b:s2+s3], $0x80, v4, vm0, $0xb8;
	[tilespmem:$0x18180] =	vst v63  }
0x6a: {  	s31 =	rddreg [dreg:$0xe]  }
0x6b: {  	[tilespmem:s31], [sflag:$0x1] =	stream.indirect_vreg.gather [hbm4b:s2+s3], $0x80, v3, vm0, $0xb8;
	[tilespmem:$0x18180] =	vst v63  }
0x6c: {  	v3 =	vld [tilespmem:$0x50];
	_ =	sdelay $0x4  }
0x6d: {  	v45 =	vshll.u32 v3, $0x1  }
0x6e: {  	v3 =	vand.u32 $0x7, v3;
	v4 =	vand.u32 $0xFFFFFFF0, v45  }
0x6f: {  	v3 =	vor.u32 v3, v4  }
0x70: {  	v4 =	vperm.xlane v3, v0;
	_ =	sdelay $0x1  }
0x71: {  	v3 =	vperm.xlane v3, v2;
	v4 =	vadd.s32 v1, v4;
	_ =	sdelay $0x1  }
0x72: {  	v3 =	vadd.s32 v1, v3;
	_ =	sdelay $0x1  }
0x73: {  	s0 =	rddreg [dreg:$0xf]  }
0x74: {  	[tilespmem:s0], [sflag:$0x1] =	stream.indirect_vreg.gather [hbm4b:s2+s3], $0x80, v4, vm0, $0xb8;
	[tilespmem:$0x18180] =	vst v63  }
0x75: {  	s31 =	rddreg [dreg:$0x10]  }
0x76: {  	[tilespmem:s31], [sflag:$0x1] =	stream.indirect_vreg.gather [hbm4b:s2+s3], $0x80, v3, vm0, $0xb8;
	[tilespmem:$0x18180] =	vst v63  }
0x77: {  	v3 =	vld [tilespmem:$0x60];
	_ =	sdelay $0x4  }
0x78: {  	v46 =	vshll.u32 v3, $0x1  }
0x79: {  	v3 =	vand.u32 $0x7, v3;
	v4 =	vand.u32 $0xFFFFFFF0, v46  }
0x7a: {  	v3 =	vor.u32 v3, v4  }
0x7b: {  	v4 =	vperm.xlane v3, v0;
	_ =	sdelay $0x1  }
0x7c: {  	v3 =	vperm.xlane v3, v2;
	v4 =	vadd.s32 v1, v4;
	_ =	sdelay $0x1  }
0x7d: {  	v3 =	vadd.s32 v1, v3;
	_ =	sdelay $0x1  }
0x7e: {  	s0 =	rddreg [dreg:$0x11]  }
0x7f: {  	[tilespmem:s0], [sflag:$0x1] =	stream.indirect_vreg.gather [hbm4b:s2+s3], $0x80, v4, vm0, $0xb8;
	[tilespmem:$0x18180] =	vst v63  }
0x80: {  	s31 =	rddreg [dreg:$0x12]  }
0x81: {  	[tilespmem:s31], [sflag:$0x1] =	stream.indirect_vreg.gather [hbm4b:s2+s3], $0x80, v3, vm0, $0xb8;
	[tilespmem:$0x18180] =	vst v63  }
0x82: {  	v3 =	vld [tilespmem:$0x70];
	_ =	sdelay $0x4  }
0x83: {  	v47 =	vshll.u32 v3, $0x1  }
0x84: {  	v3 =	vand.u32 $0x7, v3;
	v4 =	vand.u32 $0xFFFFFFF0, v47  }
0x85: {  	v3 =	vor.u32 v3, v4  }
0x86: {  	v4 =	vperm.xlane v3, v0;
	_ =	sdelay $0x1  }
0x87: {  	v3 =	vperm.xlane v3, v2;
	v4 =	vadd.s32 v1, v4;
	_ =	sdelay $0x1  }
0x88: {  	v3 =	vadd.s32 v1, v3;
	_ =	sdelay $0x1  }
0x89: {  	s0 =	rddreg [dreg:$0x13]  }
0x8a: {  	[tilespmem:s0], [sflag:$0x1] =	stream.indirect_vreg.gather [hbm4b:s2+s3], $0x80, v4, vm0, $0xb8;
	[tilespmem:$0x18180] =	vst v63  }
0x8b: {  	s31 =	rddreg [dreg:$0x14]  }
0x8c: {  	[tilespmem:s31], [sflag:$0x1] =	stream.indirect_vreg.gather [hbm4b:s2+s3], $0x80, v3, vm0, $0xb8;
	[tilespmem:$0x18180] =	vst v63  }
0x8d: {  	v3 =	vld [tilespmem:$0x80];
	_ =	sdelay $0x4  }
0x8e: {  	v48 =	vshll.u32 v3, $0x1  }
0x8f: {  	v3 =	vand.u32 $0x7, v3;
	v4 =	vand.u32 $0xFFFFFFF0, v48  }
0x90: {  	v3 =	vor.u32 v3, v4  }
0x91: {  	v4 =	vperm.xlane v3, v0;
	_ =	sdelay $0x1  }
0x92: {  	v3 =	vperm.xlane v3, v2;
	v4 =	vadd.s32 v1, v4;
	_ =	sdelay $0x1  }
0x93: {  	v3 =	vadd.s32 v1, v3;
	_ =	sdelay $0x2  }
0x94: {  	[tilespmem:s8], [sflag:$0x1] =	stream.indirect_vreg.gather [hbm4b:s2+s3], $0x80, v4, vm0, $0xb8;
	[tilespmem:$0x18180] =	vst v63  }
0x95: {  	s31 =	rddreg [dreg:$0x15]  }
0x96: {  	[tilespmem:s31], [sflag:$0x1] =	stream.indirect_vreg.gather [hbm4b:s2+s3], $0x80, v3, vm0, $0xb8;
	[tilespmem:$0x18180] =	vst v63  }
0x97: {  	v3 =	vld [tilespmem:$0x90];
	_ =	sdelay $0x4  }
0x98: {  	v49 =	vshll.u32 v3, $0x1  }
0x99: {  	v3 =	vand.u32 $0x7, v3;
	v4 =	vand.u32 $0xFFFFFFF0, v49  }
0x9a: {  	v3 =	vor.u32 v3, v4  }
0x9b: {  	v4 =	vperm.xlane v3, v0;
	_ =	sdelay $0x1  }
0x9c: {  	v3 =	vperm.xlane v3, v2;
	v4 =	vadd.s32 v1, v4;
	_ =	sdelay $0x1  }
0x9d: {  	v3 =	vadd.s32 v1, v3;
	_ =	sdelay $0x1  }
0x9e: {  	s0 =	rddreg [dreg:$0x16]  }
0x9f: {  	[tilespmem:s0], [sflag:$0x1] =	stream.indirect_vreg.gather [hbm4b:s2+s3], $0x80, v4, vm0, $0xb8;
	[tilespmem:$0x18180] =	vst v63  }
0xa0: {  	s31 =	rddreg [dreg:$0x17]  }
0xa1: {  	[tilespmem:s31], [sflag:$0x1] =	stream.indirect_vreg.gather [hbm4b:s2+s3], $0x80, v3, vm0, $0xb8;
	[tilespmem:$0x18180] =	vst v63  }
0xa2: {  	v3 =	vld [tilespmem:$0xA0];
	_ =	sdelay $0x4  }
0xa3: {  	v50 =	vshll.u32 v3, $0x1  }
0xa4: {  	v3 =	vand.u32 $0x7, v3;
	v4 =	vand.u32 $0xFFFFFFF0, v50  }
0xa5: {  	v3 =	vor.u32 v3, v4  }
0xa6: {  	v4 =	vperm.xlane v3, v0;
	_ =	sdelay $0x1  }
0xa7: {  	v3 =	vperm.xlane v3, v2;
	v4 =	vadd.s32 v1, v4;
	_ =	sdelay $0x1  }
0xa8: {  	v3 =	vadd.s32 v1, v3;
	_ =	sdelay $0x1  }
0xa9: {  	s0 =	rddreg [dreg:$0x18]  }
0xaa: {  	[tilespmem:s0], [sflag:$0x1] =	stream.indirect_vreg.gather [hbm4b:s2+s3], $0x80, v4, vm0, $0xb8;
	[tilespmem:$0x18180] =	vst v63  }
0xab: {  	s31 =	rddreg [dreg:$0x19]  }
0xac: {  	[tilespmem:s31], [sflag:$0x1] =	stream.indirect_vreg.gather [hbm4b:s2+s3], $0x80, v3, vm0, $0xb8;
	[tilespmem:$0x18180] =	vst v63  }
0xad: {  	v3 =	vld [tilespmem:$0xB0];
	_ =	sdelay $0x4  }
0xae: {  	v51 =	vshll.u32 v3, $0x1  }
0xaf: {  	v3 =	vand.u32 $0x7, v3;
	v4 =	vand.u32 $0xFFFFFFF0, v51  }
0xb0: {  	v3 =	vor.u32 v3, v4  }
0xb1: {  	v4 =	vperm.xlane v3, v0;
	_ =	sdelay $0x1  }
0xb2: {  	v3 =	vperm.xlane v3, v2;
	v4 =	vadd.s32 v1, v4;
	_ =	sdelay $0x1  }
0xb3: {  	v3 =	vadd.s32 v1, v3;
	_ =	sdelay $0x1  }
0xb4: {  	s0 =	rddreg [dreg:$0x1a]  }
0xb5: {  	[tilespmem:s0], [sflag:$0x1] =	stream.indirect_vreg.gather [hbm4b:s2+s3], $0x80, v4, vm0, $0xb8;
	[tilespmem:$0x18180] =	vst v63  }
0xb6: {  	s31 =	rddreg [dreg:$0x1b]  }
0xb7: {  	[tilespmem:s31], [sflag:$0x1] =	stream.indirect_vreg.gather [hbm4b:s2+s3], $0x80, v3, vm0, $0xb8;
	[tilespmem:$0x18180] =	vst v63  }
0xb8: {  	v3 =	vld [tilespmem:$0xC0];
	_ =	sdelay $0x4  }
0xb9: {  	v52 =	vshll.u32 v3, $0x1  }
0xba: {  	v3 =	vand.u32 $0x7, v3;
	v4 =	vand.u32 $0xFFFFFFF0, v52  }
0xbb: {  	v3 =	vor.u32 v3, v4  }
0xbc: {  	v4 =	vperm.xlane v3, v0;
	_ =	sdelay $0x1  }
0xbd: {  	v3 =	vperm.xlane v3, v2;
	v4 =	vadd.s32 v1, v4;
	_ =	sdelay $0x1  }
0xbe: {  	v3 =	vadd.s32 v1, v3;
	_ =	sdelay $0x1  }
0xbf: {  	s0 =	rddreg [dreg:$0x1c]  }
0xc0: {  	[tilespmem:s0], [sflag:$0x1] =	stream.indirect_vreg.gather [hbm4b:s2+s3], $0x80, v4, vm0, $0xb8;
	[tilespmem:$0x18180] =	vst v63  }
0xc1: {  	s31 =	rddreg [dreg:$0x1d]  }
0xc2: {  	[tilespmem:s31], [sflag:$0x1] =	stream.indirect_vreg.gather [hbm4b:s2+s3], $0x80, v3, vm0, $0xb8;
	[tilespmem:$0x18180] =	vst v63  }
0xc3: {  	v3 =	vld [tilespmem:$0xD0];
	_ =	sdelay $0x4  }
0xc4: {  	v53 =	vshll.u32 v3, $0x1  }
0xc5: {  	v3 =	vand.u32 $0x7, v3;
	v4 =	vand.u32 $0xFFFFFFF0, v53  }
0xc6: {  	v3 =	vor.u32 v3, v4  }
0xc7: {  	v4 =	vperm.xlane v3, v0;
	_ =	sdelay $0x1  }
0xc8: {  	v3 =	vperm.xlane v3, v2;
	v4 =	vadd.s32 v1, v4;
	_ =	sdelay $0x1  }
0xc9: {  	v3 =	vadd.s32 v1, v3;
	_ =	sdelay $0x1  }
0xca: {  	s0 =	rddreg [dreg:$0x1e]  }
0xcb: {  	[tilespmem:s0], [sflag:$0x1] =	stream.indirect_vreg.gather [hbm4b:s2+s3], $0x80, v4, vm0, $0xb8;
	[tilespmem:$0x18180] =	vst v63  }
0xcc: {  	s31 =	rddreg [dreg:$0x1f]  }
0xcd: {  	[tilespmem:s31], [sflag:$0x1] =	stream.indirect_vreg.gather [hbm4b:s2+s3], $0x80, v3, vm0, $0xb8;
	[tilespmem:$0x18180] =	vst v63  }
0xce: {  	v3 =	vld [tilespmem:$0xE0];
	_ =	sdelay $0x4  }
0xcf: {  	v54 =	vshll.u32 v3, $0x1  }
0xd0: {  	v3 =	vand.u32 $0x7, v3;
	v4 =	vand.u32 $0xFFFFFFF0, v54  }
0xd1: {  	v3 =	vor.u32 v3, v4  }
0xd2: {  	v4 =	vperm.xlane v3, v0;
	_ =	sdelay $0x1  }
0xd3: {  	v3 =	vperm.xlane v3, v2;
	v4 =	vadd.s32 v1, v4;
	_ =	sdelay $0x1  }
0xd4: {  	s0 =	sld [smem:$0x7FB];
	v3 =	vadd.s32 v1, v3;
	_ =	sdelay $0x1  }
0xd5: {  	s31 =	sld [smem:$0x7FC]  }
0xd6: {  	[tilespmem:s0], [sflag:$0x1] =	stream.indirect_vreg.gather [hbm4b:s2+s3], $0x80, v4, vm0, $0xb8;
	[tilespmem:$0x18180] =	vst v63  }
0xd7: {  	_ = 	snop  }
0xd8: {  	[tilespmem:s31], [sflag:$0x1] =	stream.indirect_vreg.gather [hbm4b:s2+s3], $0x80, v3, vm0, $0xb8;
	[tilespmem:$0x18180] =	vst v63  }
0xd9: {  	v3 =	vld [tilespmem:$0xF0];
	_ =	sdelay $0x4  }
0xda: {  	v55 =	vshll.u32 v3, $0x1  }
0xdb: {  	v3 =	vand.u32 $0x7, v3;
	v4 =	vand.u32 $0xFFFFFFF0, v55  }
0xdc: {  	v3 =	vor.u32 v3, v4  }
0xdd: {  	v4 =	vperm.xlane v3, v0;
	_ =	sdelay $0x1  }
0xde: {  	v3 =	vperm.xlane v3, v2;
	v4 =	vadd.s32 v1, v4;
	_ =	sdelay $0x1  }
0xdf: {  	s31 =	sld [smem:$0x7FD];
	v3 =	vadd.s32 v1, v3;
	_ =	sdelay $0x2  }
0xe0: {  	[tilespmem:s31], [sflag:$0x1] =	stream.indirect_vreg.gather [hbm4b:s2+s3], $0x80, v4, vm0, $0xb8;
	[tilespmem:$0x18180] =	vst v63  }
0xe1: {  	_ = 	snop  }
0xe2: {  	[tilespmem:s9], [sflag:$0x1] =	stream.indirect_vreg.gather [hbm4b:s2+s3], $0x80, v3, vm0, $0xb8;
	[tilespmem:$0x18180] =	vst v63  }
0xe3: {  	v3 =	vld [tilespmem:$0x100];
	_ =	sdelay $0x4  }
0xe4: {  	v56 =	vshll.u32 v3, $0x1  }
0xe5: {  	v3 =	vand.u32 $0x7, v3;
	v4 =	vand.u32 $0xFFFFFFF0, v56  }
0xe6: {  	v3 =	vor.u32 v3, v4  }
0xe7: {  	v4 =	vperm.xlane v3, v0;
	_ =	sdelay $0x1  }
0xe8: {  	v3 =	vperm.xlane v3, v2;
	v4 =	vadd.s32 v1, v4;
	_ =	sdelay $0x1  }
0xe9: {  	v3 =	vadd.s32 v1, v3;
	_ =	sdelay $0x2  }
0xea: {  	[tilespmem:s10], [sflag:$0x1] =	stream.indirect_vreg.gather [hbm4b:s2+s3], $0x80, v4, vm0, $0xb8;
	[tilespmem:$0x18180] =	vst v63  }
0xeb: {  	_ = 	snop  }
0xec: {  	[tilespmem:s11], [sflag:$0x1] =	stream.indirect_vreg.gather [hbm4b:s2+s3], $0x80, v3, vm0, $0xb8;
	[tilespmem:$0x18180] =	vst v63  }
0xed: {  	v3 =	vld [tilespmem:$0x110];
	_ =	sdelay $0x4  }
0xee: {  	v57 =	vshll.u32 v3, $0x1  }
0xef: {  	v3 =	vand.u32 $0x7, v3;
	v4 =	vand.u32 $0xFFFFFFF0, v57  }
0xf0: {  	v3 =	vor.u32 v3, v4  }
0xf1: {  	v4 =	vperm.xlane v3, v0;
	_ =	sdelay $0x1  }
0xf2: {  	v3 =	vperm.xlane v3, v2;
	v4 =	vadd.s32 v1, v4;
	_ =	sdelay $0x1  }
0xf3: {  	v3 =	vadd.s32 v1, v3;
	_ =	sdelay $0x2  }
0xf4: {  	[tilespmem:s12], [sflag:$0x1] =	stream.indirect_vreg.gather [hbm4b:s2+s3], $0x80, v4, vm0, $0xb8;
	[tilespmem:$0x18180] =	vst v63  }
0xf5: {  	_ = 	snop  }
0xf6: {  	[tilespmem:s13], [sflag:$0x1] =	stream.indirect_vreg.gather [hbm4b:s2+s3], $0x80, v3, vm0, $0xb8;
	[tilespmem:$0x18180] =	vst v63  }
0xf7: {  	v3 =	vld [tilespmem:$0x120];
	_ =	sdelay $0x4  }
0xf8: {  	v58 =	vshll.u32 v3, $0x1  }
0xf9: {  	v3 =	vand.u32 $0x7, v3;
	v4 =	vand.u32 $0xFFFFFFF0, v58  }
0xfa: {  	v3 =	vor.u32 v3, v4  }
0xfb: {  	v4 =	vperm.xlane v3, v0;
	_ =	sdelay $0x1  }
0xfc: {  	v3 =	vperm.xlane v3, v2;
	v4 =	vadd.s32 v1, v4;
	_ =	sdelay $0x1  }
0xfd: {  	v3 =	vadd.s32 v1, v3;
	_ =	sdelay $0x2  }
0xfe: {  	[tilespmem:s14], [sflag:$0x1] =	stream.indirect_vreg.gather [hbm4b:s2+s3], $0x80, v4, vm0, $0xb8;
	[tilespmem:$0x18180] =	vst v63  }
0xff: {  	_ = 	snop  }
0x100: {  	[tilespmem:s15], [sflag:$0x1] =	stream.indirect_vreg.gather [hbm4b:s2+s3], $0x80, v3, vm0, $0xb8;
	[tilespmem:$0x18180] =	vst v63  }
0x101: {  	v3 =	vld [tilespmem:$0x130];
	_ =	sdelay $0x4  }
0x102: {  	v59 =	vshll.u32 v3, $0x1  }
0x103: {  	v3 =	vand.u32 $0x7, v3;
	v4 =	vand.u32 $0xFFFFFFF0, v59  }
0x104: {  	v3 =	vor.u32 v3, v4  }
0x105: {  	v4 =	vperm.xlane v3, v0;
	_ =	sdelay $0x1  }
0x106: {  	v3 =	vperm.xlane v3, v2;
	v4 =	vadd.s32 v1, v4;
	_ =	sdelay $0x1  }
0x107: {  	v3 =	vadd.s32 v1, v3;
	_ =	sdelay $0x2  }
0x108: {  	[tilespmem:s16], [sflag:$0x1] =	stream.indirect_vreg.gather [hbm4b:s2+s3], $0x80, v4, vm0, $0xb8;
	[tilespmem:$0x18180] =	vst v63  }
0x109: {  	_ = 	snop  }
0x10a: {  	[tilespmem:s17], [sflag:$0x1] =	stream.indirect_vreg.gather [hbm4b:s2+s3], $0x80, v3, vm0, $0xb8;
	[tilespmem:$0x18180] =	vst v63  }
0x10b: {  	v3 =	vld [tilespmem:$0x140];
	_ =	sdelay $0x4  }
0x10c: {  	v60 =	vshll.u32 v3, $0x1  }
0x10d: {  	v3 =	vand.u32 $0x7, v3;
	v4 =	vand.u32 $0xFFFFFFF0, v60  }
0x10e: {  	v3 =	vor.u32 v3, v4  }
0x10f: {  	v4 =	vperm.xlane v3, v0;
	_ =	sdelay $0x1  }
0x110: {  	v3 =	vperm.xlane v3, v2;
	v4 =	vadd.s32 v1, v4;
	_ =	sdelay $0x1  }
0x111: {  	v3 =	vadd.s32 v1, v3;
	_ =	sdelay $0x2  }
0x112: {  	[tilespmem:s18], [sflag:$0x1] =	stream.indirect_vreg.gather [hbm4b:s2+s3], $0x80, v4, vm0, $0xb8;
	[tilespmem:$0x18180] =	vst v63  }
0x113: {  	_ = 	snop  }
0x114: {  	[tilespmem:s19], [sflag:$0x1] =	stream.indirect_vreg.gather [hbm4b:s2+s3], $0x80, v3, vm0, $0xb8;
	[tilespmem:$0x18180] =	vst v63  }
0x115: {  	v3 =	vld [tilespmem:$0x150];
	_ =	sdelay $0x4  }
0x116: {  	v61 =	vshll.u32 v3, $0x1  }
0x117: {  	v3 =	vand.u32 $0x7, v3;
	v4 =	vand.u32 $0xFFFFFFF0, v61  }
0x118: {  	v3 =	vor.u32 v3, v4  }
0x119: {  	v4 =	vperm.xlane v3, v0;
	_ =	sdelay $0x1  }
0x11a: {  	v3 =	vperm.xlane v3, v2;
	v4 =	vadd.s32 v1, v4;
	_ =	sdelay $0x1  }
0x11b: {  	v3 =	vadd.s32 v1, v3;
	_ =	sdelay $0x2  }
0x11c: {  	[tilespmem:s20], [sflag:$0x1] =	stream.indirect_vreg.gather [hbm4b:s2+s3], $0x80, v4, vm0, $0xb8;
	[tilespmem:$0x18180] =	vst v63  }
0x11d: {  	_ = 	snop  }
0x11e: {  	[tilespmem:s21], [sflag:$0x1] =	stream.indirect_vreg.gather [hbm4b:s2+s3], $0x80, v3, vm0, $0xb8;
	[tilespmem:$0x18180] =	vst v63  }
0x11f: {  	v3 =	vld [tilespmem:$0x160];
	_ =	sdelay $0x4  }
0x120: {  	v62 =	vshll.u32 v3, $0x1  }
0x121: {  	v3 =	vand.u32 $0x7, v3;
	v4 =	vand.u32 $0xFFFFFFF0, v62  }
0x122: {  	v3 =	vor.u32 v3, v4  }
0x123: {  	v4 =	vperm.xlane v3, v0;
	_ =	sdelay $0x1  }
0x124: {  	v3 =	vperm.xlane v3, v2;
	v4 =	vadd.s32 v1, v4;
	_ =	sdelay $0x1  }
0x125: {  	v3 =	vadd.s32 v1, v3;
	_ =	sdelay $0x2  }
0x126: {  	[tilespmem:s22], [sflag:$0x1] =	stream.indirect_vreg.gather [hbm4b:s2+s3], $0x80, v4, vm0, $0xb8;
	[tilespmem:$0x18180] =	vst v63  }
0x127: {  	_ = 	snop  }
0x128: {  	[tilespmem:s23], [sflag:$0x1] =	stream.indirect_vreg.gather [hbm4b:s2+s3], $0x80, v3, vm0, $0xb8;
	[tilespmem:$0x18180] =	vst v63  }
0x129: {  	v3 =	vld [tilespmem:$0x170];
	_ =	sdelay $0x4  }
0x12a: {  	v63 =	vshll.u32 v3, $0x1  }
0x12b: {  	v3 =	vand.u32 $0x7, v3;
	v4 =	vand.u32 $0xFFFFFFF0, v63  }
0x12c: {  	v3 =	vor.u32 v3, v4  }
0x12d: {  	v4 =	vperm.xlane v3, v0;
	_ =	sdelay $0x1  }
0x12e: {  	v3 =	vperm.xlane v3, v2;
	v4 =	vadd.s32 v1, v4;
	_ =	sdelay $0x1  }
0x12f: {  	v3 =	vadd.s32 v1, v3;
	_ =	sdelay $0x2  }
0x130: {  	[tilespmem:s24], [sflag:$0x1] =	stream.indirect_vreg.gather [hbm4b:s2+s3], $0x80, v4, vm0, $0xb8;
	[tilespmem:$0x18180] =	vst v63  }
0x131: {  	_ = 	snop  }
0x132: {  	[tilespmem:s25], [sflag:$0x1] =	stream.indirect_vreg.gather [hbm4b:s2+s3], $0x80, v3, vm0, $0xb8;
	[tilespmem:$0x18180] =	vst v63  }
0x133: {  	_ =	swait.ge [sflag:s26], $0x8000  }
0x134: {  	[sflag:s26] =	ssyncset.done $0x0  }
0x135: {  	[sflag:s26] =	ssyncadd.s32 $0xFFFF8000  }
0x136: {  	_ =	swait.ge [sflag:s26], $0x8000  }
0x137: {  	[sflag:s26] =	ssyncset.done $0x0  }
0x138: {  	[sflag:s26] =	ssyncadd.s32 $0xFFFF8000  }
0x139: {  	_ =	swait.ge [sflag:s26], $0x8000  }
0x13a: {  	s31 =	rddreg [dreg:$0x3];
	[sflag:s26] =	ssyncset.done $0x0  }
0x13b: {  	[sflag:s26] =	ssyncadd.s32 $0xFFFF8000;
	s0 =	sadd.s32 s30, s31  }
0x13c: {  	[hbm4b:s0+s3] =	stream.linear.scatter [tilespmem:s7], [sflag:$0x2], $0x8000, $0x38;
	[tilespmem:$0x18180] =	vst v63  }
0x13d: {  	_ =	swait.ge [sflag:s6], $0x8000  }
0x13e: {  	[sflag:s6] =	ssyncset.done $0x0  }
0x13f: {  	s31 =	sadd.s32 $0x80000, s0;
	[sflag:s6] =	ssyncadd.s32 $0xFFFF8000  }
0x140: {  	[hbm4b:s31+s3] =	stream.linear.scatter [tilespmem:s8], [sflag:$0x2], $0x8000, $0x38;
	[tilespmem:$0x18180] =	vst v63  }
0x141: {  	_ =	swait.ge [sflag:s6], $0x8000  }
0x142: {  	p0 =	sne.s32 s30, $0x3000;
	[sflag:s6] =	ssyncset.done $0x0  }
.Ltmp0:
0x143: {  	s0 =	sadd.s32 $0x100000, s0;
	[sflag:s6] =	ssyncadd.s32 $0xFFFF8000;
	(pc) =	sbr.rel @p0 .LBB2_2-.Ltmp0, $4  }
0x144: {  	[hbm4b:s0+s3] =	stream.linear.scatter [tilespmem:s10], [sflag:$0x2], $0x8000, $0x38;
	[tilespmem:$0x18180] =	vst v63  }
0x145: {  	_ =	swait.ge [sflag:s6], $0x8000  }
0x146: {  	[sflag:s6] =	ssyncset.done $0x0  }
0x147: {  	s29 =	sadd.s32 $0x80, s29;
	s30 =	sadd.s32 $0x1000, s30;
	[sflag:s6] =	ssyncadd.s32 $0xFFFF8000  }
0x148: {  	s28 =	sadd.s32 $0x1, s28  }
0x149: {  	p0 =	sne.s32 s28, s4  }
.Ltmp1:
0x14a: {  	_ = 	snop;
	(pc) =	sbr.rel @p0 .LBB2_1-.Ltmp1, $1  }
0x14b: {  	_ =	sdelay $0x3  }
0x14c: {  	_ =	sfence.sel $0x180000  }
0x14d: {  	[bflag:$0x0] =	sbarrier.arrive $0xFFFF  }
0x14e: {  	_ =	strace $0x9000004A  }
0x14f: {  	[bflag:$0x2] =	sbarrier.arrive $0xFFFF  }
0x150: {  	p0 =	sne.s32 s1, $0x0;
	s0 =	rddreg [dreg:$0x2]  }
0x151: {  	s0 =	sadd.s32 @!p0 $0x100000, s0  }
0x152: {  	[sflag:s0] =	ssyncadd.tile.s32 @!p0 $0x1;
	_ =	shalt  }
.Lfunc_end2:
_tile_overlayer_lowered:
.L_overlay_start_2:
0x153: {  	(tag) =	ssettag $0x2  }
0x154: {  	s0 =	rddreg [dreg:$0x0];
	s2 =	stileid.u32  }
0x155: {  	s1 =	rddreg [dreg:$0x1];
	p0 =	sne.s32 s2, $0x0  }
0x156: {  	s3 =	rddreg [dreg:$0x2];
	[bflag:$0x3] =	sbarrier.arrive $0xFFFF;
	s2 =	simm.s32 @!p0 $0x1C02  }
0x157: {  	[timem:s3], [sflag:s2] =	dma.local @!p0 [hbm:s0], s1  }
0x158: {  	s0 =	simm.s32 @!p0 $0x2  }
0x159: {  	_ =	swait.ge @!p0 [sflag:s0], s1  }
0x15a: {  	s1 =	ssub.s32 @!p0 $0x0, s1;
	[sflag:s0] =	ssyncset.done @!p0 $0x0  }
0x15b: {  	[sflag:s0] =	ssyncadd.s32 @!p0 s1  }
0x15c: {  	[bflag:$0x3] =	sbarrier.arrive $0xFFFF  }
0x15d: {  	_ =	shalt  }

</sc_bundles>
